<compile_context>
chip_gen: v7x
topology: tpu7x:2x2x1
jax: 0.10.2.dev20260603
libtpu: 0.0.44.dev20260713+nightly
codegen_flags: <defaults>
</compile_context>

<pallas_src>
import functools

import jax
import jax.numpy as jnp
from jax import lax
from jax.experimental import pallas as pl
from jax.experimental.pallas import tpu as pltpu
from jax.experimental.pallas import tpu_sc as plsc

NR_CATE = 26
BATCH = 16384
NR_FEAT = 128

NC = 2
NS = 16
L = 16
NW = NC * NS
BPW = BATCH // NW
CHUNK = 128
NCHUNK = BPW // CHUNK

_mesh = plsc.VectorSubcoreMesh(core_axis_name="c", subcore_axis_name="s")


@functools.partial(
    pl.kernel,
    mesh=_mesh,
    out_type=jax.ShapeDtypeStruct((BATCH, NR_FEAT), jnp.float32),
    compiler_params=pltpu.CompilerParams(use_tc_tiling_on_sc=True),
    scratch_types=[
        pltpu.VMEM((BPW,), jnp.int32),
        pltpu.VMEM((NCHUNK, CHUNK), jnp.int32),
        pltpu.VMEM((BPW, NR_FEAT), jnp.float32),
        pltpu.SemaphoreType.DMA,
    ],
)
def _maskout_sc(x_hbm, label_hbm, out_hbm, lab_v, idx_v, rows_v, sem):
    wid = lax.axis_index("s") * NC + lax.axis_index("c")
    base = wid * BPW

    pltpu.sync_copy(label_hbm.at[pl.ds(base, BPW)], lab_v)

    iota = lax.iota(jnp.int32, L)
    gathers = []
    for k in range(NCHUNK):
        for j in range(k * (CHUNK // L), (k + 1) * (CHUNK // L)):
            lab16 = lab_v[pl.ds(j * L, L)]
            idx16 = lab16 * BATCH + iota + (base + j * L)
            idx_v[k, pl.ds(j * L % CHUNK, L)] = idx16
        gathers.append(
            pltpu.async_copy(
                x_hbm.at[idx_v.at[k]],
                rows_v.at[pl.ds(k * CHUNK, CHUNK)],
                sem,
            )
        )
    for cp in gathers:
        cp.wait()

    pltpu.sync_copy(rows_v, out_hbm.at[pl.ds(base, BPW)])


def kernel(x, label):
    x_flat = jnp.transpose(x, (1, 0, 2)).reshape(NR_CATE * BATCH, NR_FEAT)
    return _maskout_sc(x_flat, label)

# --- scband reference (transcript-rebuilt; emitter-appended) ---
"""Pipeline reference for scband-maskout-24352464568579 (READ-ONLY COPY).

The authoritative reference and input builder live on the scoring server;
editing this copy changes nothing except your own understanding.
"""

import jax, jax.numpy as jnp
import numpy as np

NR_CATE = 26
BATCH = 16384
NR_FEAT = 128


def setup_inputs(seed: int = 0) -> dict:
    key = jax.random.key(seed)
    k1, k2 = jax.random.split(key)
    x = jax.random.normal(k1, (BATCH, NR_CATE, NR_FEAT), dtype=jnp.float32)
    label = jax.random.randint(k2, (BATCH,), 0, NR_CATE, dtype=jnp.int32)
    return {"x": x, "label": label}


def reference(x, label):
    batchsize, _nr_cate = x.shape[0], x.shape[1]
    assert _nr_cate == NR_CATE
    assert batchsize == label.shape[0]
    item_inds = jnp.arange(batchsize)
    cate_ind = label.reshape(batchsize)
    masked_shape = (batchsize,) + x.shape[2:]
    out = x[item_inds, cate_ind].reshape(*masked_shape)
    return out

if __name__ == "__main__":
    import jax
    _d = setup_inputs()
    print(jax.jit(kernel)(*tuple(_d.values())))

</pallas_src>

<mosaic_0001>
#map = affine_map<(d0, d1) -> (0, 0)>
#map1 = affine_map<(d0, d1) -> (0)>
module attributes {stable_mosaic.version = 14 : i64} {
  func.func @_maskout_sc(%arg0: i32, %arg1: i32, %arg2: memref<425984x128xf32, #tpu.memory_space<hbm>>, %arg3: memref<16384xi32, #tpu.memory_space<hbm>>, %arg4: memref<16384x128xf32, #tpu.memory_space<hbm>>, %arg5: memref<512xi32, #tpu.memory_space<vmem>>, %arg6: memref<4x128xi32, #tpu.memory_space<vmem>>, %arg7: memref<512x128xf32, #tpu.memory_space<vmem>>, %arg8: memref<!tpu.dma_semaphore, #tpu.memory_space<semaphore_mem>>) attributes {dimension_semantics = [#tpu.dimension_semantics<core_parallel>, #tpu.dimension_semantics<subcore_parallel>], iteration_bounds = array<i64: 2, 16>, scalar_prefetch = 0 : i64, scratch_operands = 4 : i64, tpu.core_type = #tpu.core_type<sc_vector_subcore>, window_params = [{transform_indices = #map}, {transform_indices = #map1}, {transform_indices = #map}]} {
    %mul3A = arith.constant 2 : i32
    %mul3A_0 = arith.muli %arg1, %mul3A : i32
    %add3A = arith.addi %mul3A_0, %arg0 : i32
    %mul3A_1 = arith.constant 512 : i32
    %mul3A_2 = arith.muli %add3A, %mul3A_1 : i32
    "tpu.region"() ({
      %run_scoped3A = tpu.sem_alloc : memref<!tpu.dma_semaphore, #tpu.memory_space<semaphore_mem>>
      %dma_start3A_623 = tpu.memref_slice %arg3[%mul3A_2] : memref<16384xi32, #tpu.memory_space<hbm>> -> memref<512xi32, #tpu.memory_space<hbm>>
      %dma_start3A_624 = tpu.memref_slice %arg3[%mul3A_2] : memref<16384xi32, #tpu.memory_space<hbm>> -> memref<512xi32, #tpu.memory_space<hbm>>
      tpu.enqueue_dma source(%dma_start3A_624 : memref<512xi32, #tpu.memory_space<hbm>>) target(%arg5 : memref<512xi32, #tpu.memory_space<vmem>>) target_semaphore(%run_scoped3A : memref<!tpu.dma_semaphore, #tpu.memory_space<semaphore_mem>>)
      %dma_wait3A_625 = tpu.memref_slice %arg3[%mul3A_2] : memref<16384xi32, #tpu.memory_space<hbm>> -> memref<512xi32, #tpu.memory_space<hbm>>
      %dma_wait3A_626 = tpu.memref_slice %arg3[%mul3A_2] : memref<16384xi32, #tpu.memory_space<hbm>> -> memref<512xi32, #tpu.memory_space<hbm>>
      tpu.wait_dma2 semaphore(%run_scoped3A : memref<!tpu.dma_semaphore, #tpu.memory_space<semaphore_mem>>) src(%dma_wait3A_626 : memref<512xi32, #tpu.memory_space<hbm>>) dst(%arg5 : memref<512xi32, #tpu.memory_space<vmem>>)
      tpu.yield
    }) : () -> ()
    %iota3A = tpu.iota {dimensions = array<i32: 0>} : vector<16xi32>
    %get3A = arith.constant 0 : index
    %get3A_3 = tpu.vector_load %arg5[%get3A] {strides = array<i32>} : memref<512xi32, #tpu.memory_space<vmem>>, vector<16xi32>,
    %get3A_4 = vector.shape_cast %get3A_3 : vector<16xi32> to vector<16xi32>
    %mul3A_5 = arith.constant 16384 : i32
    %mul3A_6 = vector.broadcast %mul3A_5 : i32 to vector<16xi32>
    %mul3A_7 = arith.muli %get3A_4, %mul3A_6 : vector<16xi32>
    %add3A_8 = arith.addi %mul3A_7, %iota3A : vector<16xi32>
    %add3A_9 = arith.constant 0 : i32
    %add3A_10 = arith.addi %mul3A_2, %add3A_9 : i32
    %add3A_11 = vector.broadcast %add3A_10 : i32 to vector<16xi32>
    %add3A_12 = arith.addi %add3A_8, %add3A_11 : vector<16xi32>
    %swap3A = arith.constant 0 : i32
    %swap3A_13 = arith.index_cast %swap3A : i32 to index
    %swap3A_14 = arith.constant 0 : index
    %swap3A_15 = tpu.vector_load %arg6[%swap3A_13, %swap3A_14] {strides = array<i32>} : memref<4x128xi32, #tpu.memory_space<vmem>>, vector<1x16xi32>,
    %swap3A_16 = vector.shape_cast %swap3A_15 : vector<1x16xi32> to vector<16xi32>
    %swap3A_17 = vector.shape_cast %add3A_12 : vector<16xi32> to vector<1x16xi32>
    tpu.vector_store %arg6[%swap3A_13, %swap3A_14], %swap3A_17 {strides = array<i32>} : memref<4x128xi32, #tpu.memory_space<vmem>>, vector<1x16xi32>,
    %get3A_18 = arith.constant 16 : index
    %get3A_19 = tpu.vector_load %arg5[%get3A_18] {strides = array<i32>} : memref<512xi32, #tpu.memory_space<vmem>>, vector<16xi32>,
    %get3A_20 = vector.shape_cast %get3A_19 : vector<16xi32> to vector<16xi32>
    %mul3A_21 = arith.constant 16384 : i32
    %mul3A_22 = vector.broadcast %mul3A_21 : i32 to vector<16xi32>
    %mul3A_23 = arith.muli %get3A_20, %mul3A_22 : vector<16xi32>
    %add3A_24 = arith.addi %mul3A_23, %iota3A : vector<16xi32>
    %add3A_25 = arith.constant 16 : i32
    %add3A_26 = arith.addi %mul3A_2, %add3A_25 : i32
    %add3A_27 = vector.broadcast %add3A_26 : i32 to vector<16xi32>
    %add3A_28 = arith.addi %add3A_24, %add3A_27 : vector<16xi32>
    %swap3A_29 = arith.constant 0 : i32
    %swap3A_30 = arith.index_cast %swap3A_29 : i32 to index
    %swap3A_31 = arith.constant 16 : index
    %swap3A_32 = tpu.vector_load %arg6[%swap3A_30, %swap3A_31] {strides = array<i32>} : memref<4x128xi32, #tpu.memory_space<vmem>>, vector<1x16xi32>,
    %swap3A_33 = vector.shape_cast %swap3A_32 : vector<1x16xi32> to vector<16xi32>
    %swap3A_34 = vector.shape_cast %add3A_28 : vector<16xi32> to vector<1x16xi32>
    tpu.vector_store %arg6[%swap3A_30, %swap3A_31], %swap3A_34 {strides = array<i32>} : memref<4x128xi32, #tpu.memory_space<vmem>>, vector<1x16xi32>,
    %get3A_35 = arith.constant 32 : index
    %get3A_36 = tpu.vector_load %arg5[%get3A_35] {strides = array<i32>} : memref<512xi32, #tpu.memory_space<vmem>>, vector<16xi32>,
    %get3A_37 = vector.shape_cast %get3A_36 : vector<16xi32> to vector<16xi32>
    %mul3A_38 = arith.constant 16384 : i32
    %mul3A_39 = vector.broadcast %mul3A_38 : i32 to vector<16xi32>
    %mul3A_40 = arith.muli %get3A_37, %mul3A_39 : vector<16xi32>
    %add3A_41 = arith.addi %mul3A_40, %iota3A : vector<16xi32>
    %add3A_42 = arith.constant 32 : i32
    %add3A_43 = arith.addi %mul3A_2, %add3A_42 : i32
    %add3A_44 = vector.broadcast %add3A_43 : i32 to vector<16xi32>
    %add3A_45 = arith.addi %add3A_41, %add3A_44 : vector<16xi32>
    %swap3A_46 = arith.constant 0 : i32
    %swap3A_47 = arith.index_cast %swap3A_46 : i32 to index
    %swap3A_48 = arith.constant 32 : index
    %swap3A_49 = tpu.vector_load %arg6[%swap3A_47, %swap3A_48] {strides = array<i32>} : memref<4x128xi32, #tpu.memory_space<vmem>>, vector<1x16xi32>,
    %swap3A_50 = vector.shape_cast %swap3A_49 : vector<1x16xi32> to vector<16xi32>
    %swap3A_51 = vector.shape_cast %add3A_45 : vector<16xi32> to vector<1x16xi32>
    tpu.vector_store %arg6[%swap3A_47, %swap3A_48], %swap3A_51 {strides = array<i32>} : memref<4x128xi32, #tpu.memory_space<vmem>>, vector<1x16xi32>,
    %get3A_52 = arith.constant 48 : index
    %get3A_53 = tpu.vector_load %arg5[%get3A_52] {strides = array<i32>} : memref<512xi32, #tpu.memory_space<vmem>>, vector<16xi32>,
    %get3A_54 = vector.shape_cast %get3A_53 : vector<16xi32> to vector<16xi32>
    %mul3A_55 = arith.constant 16384 : i32
    %mul3A_56 = vector.broadcast %mul3A_55 : i32 to vector<16xi32>
    %mul3A_57 = arith.muli %get3A_54, %mul3A_56 : vector<16xi32>
    %add3A_58 = arith.addi %mul3A_57, %iota3A : vector<16xi32>
    %add3A_59 = arith.constant 48 : i32
    %add3A_60 = arith.addi %mul3A_2, %add3A_59 : i32
    %add3A_61 = vector.broadcast %add3A_60 : i32 to vector<16xi32>
    %add3A_62 = arith.addi %add3A_58, %add3A_61 : vector<16xi32>
    %swap3A_63 = arith.constant 0 : i32
    %swap3A_64 = arith.index_cast %swap3A_63 : i32 to index
    %swap3A_65 = arith.constant 48 : index
    %swap3A_66 = tpu.vector_load %arg6[%swap3A_64, %swap3A_65] {strides = array<i32>} : memref<4x128xi32, #tpu.memory_space<vmem>>, vector<1x16xi32>,
    %swap3A_67 = vector.shape_cast %swap3A_66 : vector<1x16xi32> to vector<16xi32>
    %swap3A_68 = vector.shape_cast %add3A_62 : vector<16xi32> to vector<1x16xi32>
    tpu.vector_store %arg6[%swap3A_64, %swap3A_65], %swap3A_68 {strides = array<i32>} : memref<4x128xi32, #tpu.memory_space<vmem>>, vector<1x16xi32>,
    %get3A_69 = arith.constant 64 : index
    %get3A_70 = tpu.vector_load %arg5[%get3A_69] {strides = array<i32>} : memref<512xi32, #tpu.memory_space<vmem>>, vector<16xi32>,
    %get3A_71 = vector.shape_cast %get3A_70 : vector<16xi32> to vector<16xi32>
    %mul3A_72 = arith.constant 16384 : i32
    %mul3A_73 = vector.broadcast %mul3A_72 : i32 to vector<16xi32>
    %mul3A_74 = arith.muli %get3A_71, %mul3A_73 : vector<16xi32>
    %add3A_75 = arith.addi %mul3A_74, %iota3A : vector<16xi32>
    %add3A_76 = arith.constant 64 : i32
    %add3A_77 = arith.addi %mul3A_2, %add3A_76 : i32
    %add3A_78 = vector.broadcast %add3A_77 : i32 to vector<16xi32>
    %add3A_79 = arith.addi %add3A_75, %add3A_78 : vector<16xi32>
    %swap3A_80 = arith.constant 0 : i32
    %swap3A_81 = arith.index_cast %swap3A_80 : i32 to index
    %swap3A_82 = arith.constant 64 : index
    %swap3A_83 = tpu.vector_load %arg6[%swap3A_81, %swap3A_82] {strides = array<i32>} : memref<4x128xi32, #tpu.memory_space<vmem>>, vector<1x16xi32>,
    %swap3A_84 = vector.shape_cast %swap3A_83 : vector<1x16xi32> to vector<16xi32>
    %swap3A_85 = vector.shape_cast %add3A_79 : vector<16xi32> to vector<1x16xi32>
    tpu.vector_store %arg6[%swap3A_81, %swap3A_82], %swap3A_85 {strides = array<i32>} : memref<4x128xi32, #tpu.memory_space<vmem>>, vector<1x16xi32>,
    %get3A_86 = arith.constant 80 : index
    %get3A_87 = tpu.vector_load %arg5[%get3A_86] {strides = array<i32>} : memref<512xi32, #tpu.memory_space<vmem>>, vector<16xi32>,
    %get3A_88 = vector.shape_cast %get3A_87 : vector<16xi32> to vector<16xi32>
    %mul3A_89 = arith.constant 16384 : i32
    %mul3A_90 = vector.broadcast %mul3A_89 : i32 to vector<16xi32>
    %mul3A_91 = arith.muli %get3A_88, %mul3A_90 : vector<16xi32>
    %add3A_92 = arith.addi %mul3A_91, %iota3A : vector<16xi32>
    %add3A_93 = arith.constant 80 : i32
    %add3A_94 = arith.addi %mul3A_2, %add3A_93 : i32
    %add3A_95 = vector.broadcast %add3A_94 : i32 to vector<16xi32>
    %add3A_96 = arith.addi %add3A_92, %add3A_95 : vector<16xi32>
    %swap3A_97 = arith.constant 0 : i32
    %swap3A_98 = arith.index_cast %swap3A_97 : i32 to index
    %swap3A_99 = arith.constant 80 : index
    %swap3A_100 = tpu.vector_load %arg6[%swap3A_98, %swap3A_99] {strides = array<i32>} : memref<4x128xi32, #tpu.memory_space<vmem>>, vector<1x16xi32>,
    %swap3A_101 = vector.shape_cast %swap3A_100 : vector<1x16xi32> to vector<16xi32>
    %swap3A_102 = vector.shape_cast %add3A_96 : vector<16xi32> to vector<1x16xi32>
    tpu.vector_store %arg6[%swap3A_98, %swap3A_99], %swap3A_102 {strides = array<i32>} : memref<4x128xi32, #tpu.memory_space<vmem>>, vector<1x16xi32>,
    %get3A_103 = arith.constant 96 : index
    %get3A_104 = tpu.vector_load %arg5[%get3A_103] {strides = array<i32>} : memref<512xi32, #tpu.memory_space<vmem>>, vector<16xi32>,
    %get3A_105 = vector.shape_cast %get3A_104 : vector<16xi32> to vector<16xi32>
    %mul3A_106 = arith.constant 16384 : i32
    %mul3A_107 = vector.broadcast %mul3A_106 : i32 to vector<16xi32>
    %mul3A_108 = arith.muli %get3A_105, %mul3A_107 : vector<16xi32>
    %add3A_109 = arith.addi %mul3A_108, %iota3A : vector<16xi32>
    %add3A_110 = arith.constant 96 : i32
    %add3A_111 = arith.addi %mul3A_2, %add3A_110 : i32
    %add3A_112 = vector.broadcast %add3A_111 : i32 to vector<16xi32>
    %add3A_113 = arith.addi %add3A_109, %add3A_112 : vector<16xi32>
    %swap3A_114 = arith.constant 0 : i32
    %swap3A_115 = arith.index_cast %swap3A_114 : i32 to index
    %swap3A_116 = arith.constant 96 : index
    %swap3A_117 = tpu.vector_load %arg6[%swap3A_115, %swap3A_116] {strides = array<i32>} : memref<4x128xi32, #tpu.memory_space<vmem>>, vector<1x16xi32>,
    %swap3A_118 = vector.shape_cast %swap3A_117 : vector<1x16xi32> to vector<16xi32>
    %swap3A_119 = vector.shape_cast %add3A_113 : vector<16xi32> to vector<1x16xi32>
    tpu.vector_store %arg6[%swap3A_115, %swap3A_116], %swap3A_119 {strides = array<i32>} : memref<4x128xi32, #tpu.memory_space<vmem>>, vector<1x16xi32>,
    %get3A_120 = arith.constant 112 : index
    %get3A_121 = tpu.vector_load %arg5[%get3A_120] {strides = array<i32>} : memref<512xi32, #tpu.memory_space<vmem>>, vector<16xi32>,
    %get3A_122 = vector.shape_cast %get3A_121 : vector<16xi32> to vector<16xi32>
    %mul3A_123 = arith.constant 16384 : i32
    %mul3A_124 = vector.broadcast %mul3A_123 : i32 to vector<16xi32>
    %mul3A_125 = arith.muli %get3A_122, %mul3A_124 : vector<16xi32>
    %add3A_126 = arith.addi %mul3A_125, %iota3A : vector<16xi32>
    %add3A_127 = arith.constant 112 : i32
    %add3A_128 = arith.addi %mul3A_2, %add3A_127 : i32
    %add3A_129 = vector.broadcast %add3A_128 : i32 to vector<16xi32>
    %add3A_130 = arith.addi %add3A_126, %add3A_129 : vector<16xi32>
    %swap3A_131 = arith.constant 0 : i32
    %swap3A_132 = arith.index_cast %swap3A_131 : i32 to index
    %swap3A_133 = arith.constant 112 : index
    %swap3A_134 = tpu.vector_load %arg6[%swap3A_132, %swap3A_133] {strides = array<i32>} : memref<4x128xi32, #tpu.memory_space<vmem>>, vector<1x16xi32>,
    %swap3A_135 = vector.shape_cast %swap3A_134 : vector<1x16xi32> to vector<16xi32>
    %swap3A_136 = vector.shape_cast %add3A_130 : vector<16xi32> to vector<1x16xi32>
    tpu.vector_store %arg6[%swap3A_132, %swap3A_133], %swap3A_136 {strides = array<i32>} : memref<4x128xi32, #tpu.memory_space<vmem>>, vector<1x16xi32>,
    %dma_start3A = arith.constant 0 : i32
    %dma_start3A_137 = arith.constant 0 : i32
    %dma_start3A_138 = arith.constant 0 : i32
    %dma_start3A_139 = tpu.memref_slice %arg7[%dma_start3A_137, %dma_start3A_138] : memref<512x128xf32, #tpu.memory_space<vmem>> -> memref<128x128xf32, #tpu.memory_space<vmem>>
    %dma_start3A_140 = arith.constant 0 : i32
    %dma_start3A_141 = tpu.memref_slice %arg6[%dma_start3A, %dma_start3A_140] : memref<4x128xi32, #tpu.memory_space<vmem>> -> memref<1x128xi32, #tpu.memory_space<vmem>>
    %dma_start3A_142 = tpu.memref_squeeze %dma_start3A_141 : memref<1x128xi32, #tpu.memory_space<vmem>> -> memref<128xi32, #tpu.memory_space<vmem>>
    %dma_start3A_143 = arith.constant 0 : i32
    %dma_start3A_144 = arith.constant 0 : i32
    %dma_start3A_145 = tpu.memref_slice %arg2[%dma_start3A_143, %dma_start3A_144] : memref<425984x128xf32, #tpu.memory_space<hbm>> -> memref<425984x128xf32, #tpu.memory_space<hbm>>
    tpu.enqueue_indirect_dma source(%dma_start3A_145 : memref<425984x128xf32, #tpu.memory_space<hbm>>) target(%dma_start3A_139 : memref<128x128xf32, #tpu.memory_space<vmem>>) offsets(%dma_start3A_142 : memref<128xi32, #tpu.memory_space<vmem>>) semaphore(%arg8 : memref<!tpu.dma_semaphore, #tpu.memory_space<semaphore_mem>>)
    %get3A_146 = arith.constant 128 : index
    %get3A_147 = tpu.vector_load %arg5[%get3A_146] {strides = array<i32>} : memref<512xi32, #tpu.memory_space<vmem>>, vector<16xi32>,
    %get3A_148 = vector.shape_cast %get3A_147 : vector<16xi32> to vector<16xi32>
    %mul3A_149 = arith.constant 16384 : i32
    %mul3A_150 = vector.broadcast %mul3A_149 : i32 to vector<16xi32>
    %mul3A_151 = arith.muli %get3A_148, %mul3A_150 : vector<16xi32>
    %add3A_152 = arith.addi %mul3A_151, %iota3A : vector<16xi32>
    %add3A_153 = arith.constant 128 : i32
    %add3A_154 = arith.addi %mul3A_2, %add3A_153 : i32
    %add3A_155 = vector.broadcast %add3A_154 : i32 to vector<16xi32>
    %add3A_156 = arith.addi %add3A_152, %add3A_155 : vector<16xi32>
    %swap3A_157 = arith.constant 1 : i32
    %swap3A_158 = arith.index_cast %swap3A_157 : i32 to index
    %swap3A_159 = arith.constant 0 : index
    %swap3A_160 = tpu.vector_load %arg6[%swap3A_158, %swap3A_159] {strides = array<i32>} : memref<4x128xi32, #tpu.memory_space<vmem>>, vector<1x16xi32>,
    %swap3A_161 = vector.shape_cast %swap3A_160 : vector<1x16xi32> to vector<16xi32>
    %swap3A_162 = vector.shape_cast %add3A_156 : vector<16xi32> to vector<1x16xi32>
    tpu.vector_store %arg6[%swap3A_158, %swap3A_159], %swap3A_162 {strides = array<i32>} : memref<4x128xi32, #tpu.memory_space<vmem>>, vector<1x16xi32>,
    %get3A_163 = arith.constant 144 : index
    %get3A_164 = tpu.vector_load %arg5[%get3A_163] {strides = array<i32>} : memref<512xi32, #tpu.memory_space<vmem>>, vector<16xi32>,
    %get3A_165 = vector.shape_cast %get3A_164 : vector<16xi32> to vector<16xi32>
    %mul3A_166 = arith.constant 16384 : i32
    %mul3A_167 = vector.broadcast %mul3A_166 : i32 to vector<16xi32>
    %mul3A_168 = arith.muli %get3A_165, %mul3A_167 : vector<16xi32>
    %add3A_169 = arith.addi %mul3A_168, %iota3A : vector<16xi32>
    %add3A_170 = arith.constant 144 : i32
    %add3A_171 = arith.addi %mul3A_2, %add3A_170 : i32
    %add3A_172 = vector.broadcast %add3A_171 : i32 to vector<16xi32>
    %add3A_173 = arith.addi %add3A_169, %add3A_172 : vector<16xi32>
    %swap3A_174 = arith.constant 1 : i32
    %swap3A_175 = arith.index_cast %swap3A_174 : i32 to index
    %swap3A_176 = arith.constant 16 : index
    %swap3A_177 = tpu.vector_load %arg6[%swap3A_175, %swap3A_176] {strides = array<i32>} : memref<4x128xi32, #tpu.memory_space<vmem>>, vector<1x16xi32>,
    %swap3A_178 = vector.shape_cast %swap3A_177 : vector<1x16xi32> to vector<16xi32>
    %swap3A_179 = vector.shape_cast %add3A_173 : vector<16xi32> to vector<1x16xi32>
    tpu.vector_store %arg6[%swap3A_175, %swap3A_176], %swap3A_179 {strides = array<i32>} : memref<4x128xi32, #tpu.memory_space<vmem>>, vector<1x16xi32>,
    %get3A_180 = arith.constant 160 : index
    %get3A_181 = tpu.vector_load %arg5[%get3A_180] {strides = array<i32>} : memref<512xi32, #tpu.memory_space<vmem>>, vector<16xi32>,
    %get3A_182 = vector.shape_cast %get3A_181 : vector<16xi32> to vector<16xi32>
    %mul3A_183 = arith.constant 16384 : i32
    %mul3A_184 = vector.broadcast %mul3A_183 : i32 to vector<16xi32>
    %mul3A_185 = arith.muli %get3A_182, %mul3A_184 : vector<16xi32>
    %add3A_186 = arith.addi %mul3A_185, %iota3A : vector<16xi32>
    %add3A_187 = arith.constant 160 : i32
    %add3A_188 = arith.addi %mul3A_2, %add3A_187 : i32
    %add3A_189 = vector.broadcast %add3A_188 : i32 to vector<16xi32>
    %add3A_190 = arith.addi %add3A_186, %add3A_189 : vector<16xi32>
    %swap3A_191 = arith.constant 1 : i32
    %swap3A_192 = arith.index_cast %swap3A_191 : i32 to index
    %swap3A_193 = arith.constant 32 : index
    %swap3A_194 = tpu.vector_load %arg6[%swap3A_192, %swap3A_193] {strides = array<i32>} : memref<4x128xi32, #tpu.memory_space<vmem>>, vector<1x16xi32>,
    %swap3A_195 = vector.shape_cast %swap3A_194 : vector<1x16xi32> to vector<16xi32>
    %swap3A_196 = vector.shape_cast %add3A_190 : vector<16xi32> to vector<1x16xi32>
    tpu.vector_store %arg6[%swap3A_192, %swap3A_193], %swap3A_196 {strides = array<i32>} : memref<4x128xi32, #tpu.memory_space<vmem>>, vector<1x16xi32>,
    %get3A_197 = arith.constant 176 : index
    %get3A_198 = tpu.vector_load %arg5[%get3A_197] {strides = array<i32>} : memref<512xi32, #tpu.memory_space<vmem>>, vector<16xi32>,
    %get3A_199 = vector.shape_cast %get3A_198 : vector<16xi32> to vector<16xi32>
    %mul3A_200 = arith.constant 16384 : i32
    %mul3A_201 = vector.broadcast %mul3A_200 : i32 to vector<16xi32>
    %mul3A_202 = arith.muli %get3A_199, %mul3A_201 : vector<16xi32>
    %add3A_203 = arith.addi %mul3A_202, %iota3A : vector<16xi32>
    %add3A_204 = arith.constant 176 : i32
    %add3A_205 = arith.addi %mul3A_2, %add3A_204 : i32
    %add3A_206 = vector.broadcast %add3A_205 : i32 to vector<16xi32>
    %add3A_207 = arith.addi %add3A_203, %add3A_206 : vector<16xi32>
    %swap3A_208 = arith.constant 1 : i32
    %swap3A_209 = arith.index_cast %swap3A_208 : i32 to index
    %swap3A_210 = arith.constant 48 : index
    %swap3A_211 = tpu.vector_load %arg6[%swap3A_209, %swap3A_210] {strides = array<i32>} : memref<4x128xi32, #tpu.memory_space<vmem>>, vector<1x16xi32>,
    %swap3A_212 = vector.shape_cast %swap3A_211 : vector<1x16xi32> to vector<16xi32>
    %swap3A_213 = vector.shape_cast %add3A_207 : vector<16xi32> to vector<1x16xi32>
    tpu.vector_store %arg6[%swap3A_209, %swap3A_210], %swap3A_213 {strides = array<i32>} : memref<4x128xi32, #tpu.memory_space<vmem>>, vector<1x16xi32>,
    %get3A_214 = arith.constant 192 : index
    %get3A_215 = tpu.vector_load %arg5[%get3A_214] {strides = array<i32>} : memref<512xi32, #tpu.memory_space<vmem>>, vector<16xi32>,
    %get3A_216 = vector.shape_cast %get3A_215 : vector<16xi32> to vector<16xi32>
    %mul3A_217 = arith.constant 16384 : i32
    %mul3A_218 = vector.broadcast %mul3A_217 : i32 to vector<16xi32>
    %mul3A_219 = arith.muli %get3A_216, %mul3A_218 : vector<16xi32>
    %add3A_220 = arith.addi %mul3A_219, %iota3A : vector<16xi32>
    %add3A_221 = arith.constant 192 : i32
    %add3A_222 = arith.addi %mul3A_2, %add3A_221 : i32
    %add3A_223 = vector.broadcast %add3A_222 : i32 to vector<16xi32>
    %add3A_224 = arith.addi %add3A_220, %add3A_223 : vector<16xi32>
    %swap3A_225 = arith.constant 1 : i32
    %swap3A_226 = arith.index_cast %swap3A_225 : i32 to index
    %swap3A_227 = arith.constant 64 : index
    %swap3A_228 = tpu.vector_load %arg6[%swap3A_226, %swap3A_227] {strides = array<i32>} : memref<4x128xi32, #tpu.memory_space<vmem>>, vector<1x16xi32>,
    %swap3A_229 = vector.shape_cast %swap3A_228 : vector<1x16xi32> to vector<16xi32>
    %swap3A_230 = vector.shape_cast %add3A_224 : vector<16xi32> to vector<1x16xi32>
    tpu.vector_store %arg6[%swap3A_226, %swap3A_227], %swap3A_230 {strides = array<i32>} : memref<4x128xi32, #tpu.memory_space<vmem>>, vector<1x16xi32>,
    %get3A_231 = arith.constant 208 : index
    %get3A_232 = tpu.vector_load %arg5[%get3A_231] {strides = array<i32>} : memref<512xi32, #tpu.memory_space<vmem>>, vector<16xi32>,
    %get3A_233 = vector.shape_cast %get3A_232 : vector<16xi32> to vector<16xi32>
    %mul3A_234 = arith.constant 16384 : i32
    %mul3A_235 = vector.broadcast %mul3A_234 : i32 to vector<16xi32>
    %mul3A_236 = arith.muli %get3A_233, %mul3A_235 : vector<16xi32>
    %add3A_237 = arith.addi %mul3A_236, %iota3A : vector<16xi32>
    %add3A_238 = arith.constant 208 : i32
    %add3A_239 = arith.addi %mul3A_2, %add3A_238 : i32
    %add3A_240 = vector.broadcast %add3A_239 : i32 to vector<16xi32>
    %add3A_241 = arith.addi %add3A_237, %add3A_240 : vector<16xi32>
    %swap3A_242 = arith.constant 1 : i32
    %swap3A_243 = arith.index_cast %swap3A_242 : i32 to index
    %swap3A_244 = arith.constant 80 : index
    %swap3A_245 = tpu.vector_load %arg6[%swap3A_243, %swap3A_244] {strides = array<i32>} : memref<4x128xi32, #tpu.memory_space<vmem>>, vector<1x16xi32>,
    %swap3A_246 = vector.shape_cast %swap3A_245 : vector<1x16xi32> to vector<16xi32>
    %swap3A_247 = vector.shape_cast %add3A_241 : vector<16xi32> to vector<1x16xi32>
    tpu.vector_store %arg6[%swap3A_243, %swap3A_244], %swap3A_247 {strides = array<i32>} : memref<4x128xi32, #tpu.memory_space<vmem>>, vector<1x16xi32>,
    %get3A_248 = arith.constant 224 : index
    %get3A_249 = tpu.vector_load %arg5[%get3A_248] {strides = array<i32>} : memref<512xi32, #tpu.memory_space<vmem>>, vector<16xi32>,
    %get3A_250 = vector.shape_cast %get3A_249 : vector<16xi32> to vector<16xi32>
    %mul3A_251 = arith.constant 16384 : i32
    %mul3A_252 = vector.broadcast %mul3A_251 : i32 to vector<16xi32>
    %mul3A_253 = arith.muli %get3A_250, %mul3A_252 : vector<16xi32>
    %add3A_254 = arith.addi %mul3A_253, %iota3A : vector<16xi32>
    %add3A_255 = arith.constant 224 : i32
    %add3A_256 = arith.addi %mul3A_2, %add3A_255 : i32
    %add3A_257 = vector.broadcast %add3A_256 : i32 to vector<16xi32>
    %add3A_258 = arith.addi %add3A_254, %add3A_257 : vector<16xi32>
    %swap3A_259 = arith.constant 1 : i32
    %swap3A_260 = arith.index_cast %swap3A_259 : i32 to index
    %swap3A_261 = arith.constant 96 : index
    %swap3A_262 = tpu.vector_load %arg6[%swap3A_260, %swap3A_261] {strides = array<i32>} : memref<4x128xi32, #tpu.memory_space<vmem>>, vector<1x16xi32>,
    %swap3A_263 = vector.shape_cast %swap3A_262 : vector<1x16xi32> to vector<16xi32>
    %swap3A_264 = vector.shape_cast %add3A_258 : vector<16xi32> to vector<1x16xi32>
    tpu.vector_store %arg6[%swap3A_260, %swap3A_261], %swap3A_264 {strides = array<i32>} : memref<4x128xi32, #tpu.memory_space<vmem>>, vector<1x16xi32>,
    %get3A_265 = arith.constant 240 : index
    %get3A_266 = tpu.vector_load %arg5[%get3A_265] {strides = array<i32>} : memref<512xi32, #tpu.memory_space<vmem>>, vector<16xi32>,
    %get3A_267 = vector.shape_cast %get3A_266 : vector<16xi32> to vector<16xi32>
    %mul3A_268 = arith.constant 16384 : i32
    %mul3A_269 = vector.broadcast %mul3A_268 : i32 to vector<16xi32>
    %mul3A_270 = arith.muli %get3A_267, %mul3A_269 : vector<16xi32>
    %add3A_271 = arith.addi %mul3A_270, %iota3A : vector<16xi32>
    %add3A_272 = arith.constant 240 : i32
    %add3A_273 = arith.addi %mul3A_2, %add3A_272 : i32
    %add3A_274 = vector.broadcast %add3A_273 : i32 to vector<16xi32>
    %add3A_275 = arith.addi %add3A_271, %add3A_274 : vector<16xi32>
    %swap3A_276 = arith.constant 1 : i32
    %swap3A_277 = arith.index_cast %swap3A_276 : i32 to index
    %swap3A_278 = arith.constant 112 : index
    %swap3A_279 = tpu.vector_load %arg6[%swap3A_277, %swap3A_278] {strides = array<i32>} : memref<4x128xi32, #tpu.memory_space<vmem>>, vector<1x16xi32>,
    %swap3A_280 = vector.shape_cast %swap3A_279 : vector<1x16xi32> to vector<16xi32>
    %swap3A_281 = vector.shape_cast %add3A_275 : vector<16xi32> to vector<1x16xi32>
    tpu.vector_store %arg6[%swap3A_277, %swap3A_278], %swap3A_281 {strides = array<i32>} : memref<4x128xi32, #tpu.memory_space<vmem>>, vector<1x16xi32>,
    %dma_start3A_282 = arith.constant 1 : i32
    %dma_start3A_283 = arith.constant 128 : i32
    %dma_start3A_284 = arith.constant 0 : i32
    %dma_start3A_285 = tpu.memref_slice %arg7[%dma_start3A_283, %dma_start3A_284] : memref<512x128xf32, #tpu.memory_space<vmem>> -> memref<128x128xf32, #tpu.memory_space<vmem>>
    %dma_start3A_286 = arith.constant 0 : i32
    %dma_start3A_287 = tpu.memref_slice %arg6[%dma_start3A_282, %dma_start3A_286] : memref<4x128xi32, #tpu.memory_space<vmem>> -> memref<1x128xi32, #tpu.memory_space<vmem>>
    %dma_start3A_288 = tpu.memref_squeeze %dma_start3A_287 : memref<1x128xi32, #tpu.memory_space<vmem>> -> memref<128xi32, #tpu.memory_space<vmem>>
    %dma_start3A_289 = arith.constant 0 : i32
    %dma_start3A_290 = arith.constant 0 : i32
    %dma_start3A_291 = tpu.memref_slice %arg2[%dma_start3A_289, %dma_start3A_290] : memref<425984x128xf32, #tpu.memory_space<hbm>> -> memref<425984x128xf32, #tpu.memory_space<hbm>>
    tpu.enqueue_indirect_dma source(%dma_start3A_291 : memref<425984x128xf32, #tpu.memory_space<hbm>>) target(%dma_start3A_285 : memref<128x128xf32, #tpu.memory_space<vmem>>) offsets(%dma_start3A_288 : memref<128xi32, #tpu.memory_space<vmem>>) semaphore(%arg8 : memref<!tpu.dma_semaphore, #tpu.memory_space<semaphore_mem>>)
    %get3A_292 = arith.constant 256 : index
    %get3A_293 = tpu.vector_load %arg5[%get3A_292] {strides = array<i32>} : memref<512xi32, #tpu.memory_space<vmem>>, vector<16xi32>,
    %get3A_294 = vector.shape_cast %get3A_293 : vector<16xi32> to vector<16xi32>
    %mul3A_295 = arith.constant 16384 : i32
    %mul3A_296 = vector.broadcast %mul3A_295 : i32 to vector<16xi32>
    %mul3A_297 = arith.muli %get3A_294, %mul3A_296 : vector<16xi32>
    %add3A_298 = arith.addi %mul3A_297, %iota3A : vector<16xi32>
    %add3A_299 = arith.constant 256 : i32
    %add3A_300 = arith.addi %mul3A_2, %add3A_299 : i32
    %add3A_301 = vector.broadcast %add3A_300 : i32 to vector<16xi32>
    %add3A_302 = arith.addi %add3A_298, %add3A_301 : vector<16xi32>
    %swap3A_303 = arith.constant 2 : i32
    %swap3A_304 = arith.index_cast %swap3A_303 : i32 to index
    %swap3A_305 = arith.constant 0 : index
    %swap3A_306 = tpu.vector_load %arg6[%swap3A_304, %swap3A_305] {strides = array<i32>} : memref<4x128xi32, #tpu.memory_space<vmem>>, vector<1x16xi32>,
    %swap3A_307 = vector.shape_cast %swap3A_306 : vector<1x16xi32> to vector<16xi32>
    %swap3A_308 = vector.shape_cast %add3A_302 : vector<16xi32> to vector<1x16xi32>
    tpu.vector_store %arg6[%swap3A_304, %swap3A_305], %swap3A_308 {strides = array<i32>} : memref<4x128xi32, #tpu.memory_space<vmem>>, vector<1x16xi32>,
    %get3A_309 = arith.constant 272 : index
    %get3A_310 = tpu.vector_load %arg5[%get3A_309] {strides = array<i32>} : memref<512xi32, #tpu.memory_space<vmem>>, vector<16xi32>,
    %get3A_311 = vector.shape_cast %get3A_310 : vector<16xi32> to vector<16xi32>
    %mul3A_312 = arith.constant 16384 : i32
    %mul3A_313 = vector.broadcast %mul3A_312 : i32 to vector<16xi32>
    %mul3A_314 = arith.muli %get3A_311, %mul3A_313 : vector<16xi32>
    %add3A_315 = arith.addi %mul3A_314, %iota3A : vector<16xi32>
    %add3A_316 = arith.constant 272 : i32
    %add3A_317 = arith.addi %mul3A_2, %add3A_316 : i32
    %add3A_318 = vector.broadcast %add3A_317 : i32 to vector<16xi32>
    %add3A_319 = arith.addi %add3A_315, %add3A_318 : vector<16xi32>
    %swap3A_320 = arith.constant 2 : i32
    %swap3A_321 = arith.index_cast %swap3A_320 : i32 to index
    %swap3A_322 = arith.constant 16 : index
    %swap3A_323 = tpu.vector_load %arg6[%swap3A_321, %swap3A_322] {strides = array<i32>} : memref<4x128xi32, #tpu.memory_space<vmem>>, vector<1x16xi32>,
    %swap3A_324 = vector.shape_cast %swap3A_323 : vector<1x16xi32> to vector<16xi32>
    %swap3A_325 = vector.shape_cast %add3A_319 : vector<16xi32> to vector<1x16xi32>
    tpu.vector_store %arg6[%swap3A_321, %swap3A_322], %swap3A_325 {strides = array<i32>} : memref<4x128xi32, #tpu.memory_space<vmem>>, vector<1x16xi32>,
    %get3A_326 = arith.constant 288 : index
    %get3A_327 = tpu.vector_load %arg5[%get3A_326] {strides = array<i32>} : memref<512xi32, #tpu.memory_space<vmem>>, vector<16xi32>,
    %get3A_328 = vector.shape_cast %get3A_327 : vector<16xi32> to vector<16xi32>
    %mul3A_329 = arith.constant 16384 : i32
    %mul3A_330 = vector.broadcast %mul3A_329 : i32 to vector<16xi32>
    %mul3A_331 = arith.muli %get3A_328, %mul3A_330 : vector<16xi32>
    %add3A_332 = arith.addi %mul3A_331, %iota3A : vector<16xi32>
    %add3A_333 = arith.constant 288 : i32
    %add3A_334 = arith.addi %mul3A_2, %add3A_333 : i32
    %add3A_335 = vector.broadcast %add3A_334 : i32 to vector<16xi32>
    %add3A_336 = arith.addi %add3A_332, %add3A_335 : vector<16xi32>
    %swap3A_337 = arith.constant 2 : i32
    %swap3A_338 = arith.index_cast %swap3A_337 : i32 to index
    %swap3A_339 = arith.constant 32 : index
    %swap3A_340 = tpu.vector_load %arg6[%swap3A_338, %swap3A_339] {strides = array<i32>} : memref<4x128xi32, #tpu.memory_space<vmem>>, vector<1x16xi32>,
    %swap3A_341 = vector.shape_cast %swap3A_340 : vector<1x16xi32> to vector<16xi32>
    %swap3A_342 = vector.shape_cast %add3A_336 : vector<16xi32> to vector<1x16xi32>
    tpu.vector_store %arg6[%swap3A_338, %swap3A_339], %swap3A_342 {strides = array<i32>} : memref<4x128xi32, #tpu.memory_space<vmem>>, vector<1x16xi32>,
    %get3A_343 = arith.constant 304 : index
    %get3A_344 = tpu.vector_load %arg5[%get3A_343] {strides = array<i32>} : memref<512xi32, #tpu.memory_space<vmem>>, vector<16xi32>,
    %get3A_345 = vector.shape_cast %get3A_344 : vector<16xi32> to vector<16xi32>
    %mul3A_346 = arith.constant 16384 : i32
    %mul3A_347 = vector.broadcast %mul3A_346 : i32 to vector<16xi32>
    %mul3A_348 = arith.muli %get3A_345, %mul3A_347 : vector<16xi32>
    %add3A_349 = arith.addi %mul3A_348, %iota3A : vector<16xi32>
    %add3A_350 = arith.constant 304 : i32
    %add3A_351 = arith.addi %mul3A_2, %add3A_350 : i32
    %add3A_352 = vector.broadcast %add3A_351 : i32 to vector<16xi32>
    %add3A_353 = arith.addi %add3A_349, %add3A_352 : vector<16xi32>
    %swap3A_354 = arith.constant 2 : i32
    %swap3A_355 = arith.index_cast %swap3A_354 : i32 to index
    %swap3A_356 = arith.constant 48 : index
    %swap3A_357 = tpu.vector_load %arg6[%swap3A_355, %swap3A_356] {strides = array<i32>} : memref<4x128xi32, #tpu.memory_space<vmem>>, vector<1x16xi32>,
    %swap3A_358 = vector.shape_cast %swap3A_357 : vector<1x16xi32> to vector<16xi32>
    %swap3A_359 = vector.shape_cast %add3A_353 : vector<16xi32> to vector<1x16xi32>
    tpu.vector_store %arg6[%swap3A_355, %swap3A_356], %swap3A_359 {strides = array<i32>} : memref<4x128xi32, #tpu.memory_space<vmem>>, vector<1x16xi32>,
    %get3A_360 = arith.constant 320 : index
    %get3A_361 = tpu.vector_load %arg5[%get3A_360] {strides = array<i32>} : memref<512xi32, #tpu.memory_space<vmem>>, vector<16xi32>,
    %get3A_362 = vector.shape_cast %get3A_361 : vector<16xi32> to vector<16xi32>
    %mul3A_363 = arith.constant 16384 : i32
    %mul3A_364 = vector.broadcast %mul3A_363 : i32 to vector<16xi32>
    %mul3A_365 = arith.muli %get3A_362, %mul3A_364 : vector<16xi32>
    %add3A_366 = arith.addi %mul3A_365, %iota3A : vector<16xi32>
    %add3A_367 = arith.constant 320 : i32
    %add3A_368 = arith.addi %mul3A_2, %add3A_367 : i32
    %add3A_369 = vector.broadcast %add3A_368 : i32 to vector<16xi32>
    %add3A_370 = arith.addi %add3A_366, %add3A_369 : vector<16xi32>
    %swap3A_371 = arith.constant 2 : i32
    %swap3A_372 = arith.index_cast %swap3A_371 : i32 to index
    %swap3A_373 = arith.constant 64 : index
    %swap3A_374 = tpu.vector_load %arg6[%swap3A_372, %swap3A_373] {strides = array<i32>} : memref<4x128xi32, #tpu.memory_space<vmem>>, vector<1x16xi32>,
    %swap3A_375 = vector.shape_cast %swap3A_374 : vector<1x16xi32> to vector<16xi32>
    %swap3A_376 = vector.shape_cast %add3A_370 : vector<16xi32> to vector<1x16xi32>
    tpu.vector_store %arg6[%swap3A_372, %swap3A_373], %swap3A_376 {strides = array<i32>} : memref<4x128xi32, #tpu.memory_space<vmem>>, vector<1x16xi32>,
    %get3A_377 = arith.constant 336 : index
    %get3A_378 = tpu.vector_load %arg5[%get3A_377] {strides = array<i32>} : memref<512xi32, #tpu.memory_space<vmem>>, vector<16xi32>,
    %get3A_379 = vector.shape_cast %get3A_378 : vector<16xi32> to vector<16xi32>
    %mul3A_380 = arith.constant 16384 : i32
    %mul3A_381 = vector.broadcast %mul3A_380 : i32 to vector<16xi32>
    %mul3A_382 = arith.muli %get3A_379, %mul3A_381 : vector<16xi32>
    %add3A_383 = arith.addi %mul3A_382, %iota3A : vector<16xi32>
    %add3A_384 = arith.constant 336 : i32
    %add3A_385 = arith.addi %mul3A_2, %add3A_384 : i32
    %add3A_386 = vector.broadcast %add3A_385 : i32 to vector<16xi32>
    %add3A_387 = arith.addi %add3A_383, %add3A_386 : vector<16xi32>
    %swap3A_388 = arith.constant 2 : i32
    %swap3A_389 = arith.index_cast %swap3A_388 : i32 to index
    %swap3A_390 = arith.constant 80 : index
    %swap3A_391 = tpu.vector_load %arg6[%swap3A_389, %swap3A_390] {strides = array<i32>} : memref<4x128xi32, #tpu.memory_space<vmem>>, vector<1x16xi32>,
    %swap3A_392 = vector.shape_cast %swap3A_391 : vector<1x16xi32> to vector<16xi32>
    %swap3A_393 = vector.shape_cast %add3A_387 : vector<16xi32> to vector<1x16xi32>
    tpu.vector_store %arg6[%swap3A_389, %swap3A_390], %swap3A_393 {strides = array<i32>} : memref<4x128xi32, #tpu.memory_space<vmem>>, vector<1x16xi32>,
    %get3A_394 = arith.constant 352 : index
    %get3A_395 = tpu.vector_load %arg5[%get3A_394] {strides = array<i32>} : memref<512xi32, #tpu.memory_space<vmem>>, vector<16xi32>,
    %get3A_396 = vector.shape_cast %get3A_395 : vector<16xi32> to vector<16xi32>
    %mul3A_397 = arith.constant 16384 : i32
    %mul3A_398 = vector.broadcast %mul3A_397 : i32 to vector<16xi32>
    %mul3A_399 = arith.muli %get3A_396, %mul3A_398 : vector<16xi32>
    %add3A_400 = arith.addi %mul3A_399, %iota3A : vector<16xi32>
    %add3A_401 = arith.constant 352 : i32
    %add3A_402 = arith.addi %mul3A_2, %add3A_401 : i32
    %add3A_403 = vector.broadcast %add3A_402 : i32 to vector<16xi32>
    %add3A_404 = arith.addi %add3A_400, %add3A_403 : vector<16xi32>
    %swap3A_405 = arith.constant 2 : i32
    %swap3A_406 = arith.index_cast %swap3A_405 : i32 to index
    %swap3A_407 = arith.constant 96 : index
    %swap3A_408 = tpu.vector_load %arg6[%swap3A_406, %swap3A_407] {strides = array<i32>} : memref<4x128xi32, #tpu.memory_space<vmem>>, vector<1x16xi32>,
    %swap3A_409 = vector.shape_cast %swap3A_408 : vector<1x16xi32> to vector<16xi32>
    %swap3A_410 = vector.shape_cast %add3A_404 : vector<16xi32> to vector<1x16xi32>
    tpu.vector_store %arg6[%swap3A_406, %swap3A_407], %swap3A_410 {strides = array<i32>} : memref<4x128xi32, #tpu.memory_space<vmem>>, vector<1x16xi32>,
    %get3A_411 = arith.constant 368 : index
    %get3A_412 = tpu.vector_load %arg5[%get3A_411] {strides = array<i32>} : memref<512xi32, #tpu.memory_space<vmem>>, vector<16xi32>,
    %get3A_413 = vector.shape_cast %get3A_412 : vector<16xi32> to vector<16xi32>
    %mul3A_414 = arith.constant 16384 : i32
    %mul3A_415 = vector.broadcast %mul3A_414 : i32 to vector<16xi32>
    %mul3A_416 = arith.muli %get3A_413, %mul3A_415 : vector<16xi32>
    %add3A_417 = arith.addi %mul3A_416, %iota3A : vector<16xi32>
    %add3A_418 = arith.constant 368 : i32
    %add3A_419 = arith.addi %mul3A_2, %add3A_418 : i32
    %add3A_420 = vector.broadcast %add3A_419 : i32 to vector<16xi32>
    %add3A_421 = arith.addi %add3A_417, %add3A_420 : vector<16xi32>
    %swap3A_422 = arith.constant 2 : i32
    %swap3A_423 = arith.index_cast %swap3A_422 : i32 to index
    %swap3A_424 = arith.constant 112 : index
    %swap3A_425 = tpu.vector_load %arg6[%swap3A_423, %swap3A_424] {strides = array<i32>} : memref<4x128xi32, #tpu.memory_space<vmem>>, vector<1x16xi32>,
    %swap3A_426 = vector.shape_cast %swap3A_425 : vector<1x16xi32> to vector<16xi32>
    %swap3A_427 = vector.shape_cast %add3A_421 : vector<16xi32> to vector<1x16xi32>
    tpu.vector_store %arg6[%swap3A_423, %swap3A_424], %swap3A_427 {strides = array<i32>} : memref<4x128xi32, #tpu.memory_space<vmem>>, vector<1x16xi32>,
    %dma_start3A_428 = arith.constant 2 : i32
    %dma_start3A_429 = arith.constant 256 : i32
    %dma_start3A_430 = arith.constant 0 : i32
    %dma_start3A_431 = tpu.memref_slice %arg7[%dma_start3A_429, %dma_start3A_430] : memref<512x128xf32, #tpu.memory_space<vmem>> -> memref<128x128xf32, #tpu.memory_space<vmem>>
    %dma_start3A_432 = arith.constant 0 : i32
    %dma_start3A_433 = tpu.memref_slice %arg6[%dma_start3A_428, %dma_start3A_432] : memref<4x128xi32, #tpu.memory_space<vmem>> -> memref<1x128xi32, #tpu.memory_space<vmem>>
    %dma_start3A_434 = tpu.memref_squeeze %dma_start3A_433 : memref<1x128xi32, #tpu.memory_space<vmem>> -> memref<128xi32, #tpu.memory_space<vmem>>
    %dma_start3A_435 = arith.constant 0 : i32
    %dma_start3A_436 = arith.constant 0 : i32
    %dma_start3A_437 = tpu.memref_slice %arg2[%dma_start3A_435, %dma_start3A_436] : memref<425984x128xf32, #tpu.memory_space<hbm>> -> memref<425984x128xf32, #tpu.memory_space<hbm>>
    tpu.enqueue_indirect_dma source(%dma_start3A_437 : memref<425984x128xf32, #tpu.memory_space<hbm>>) target(%dma_start3A_431 : memref<128x128xf32, #tpu.memory_space<vmem>>) offsets(%dma_start3A_434 : memref<128xi32, #tpu.memory_space<vmem>>) semaphore(%arg8 : memref<!tpu.dma_semaphore, #tpu.memory_space<semaphore_mem>>)
    %get3A_438 = arith.constant 384 : index
    %get3A_439 = tpu.vector_load %arg5[%get3A_438] {strides = array<i32>} : memref<512xi32, #tpu.memory_space<vmem>>, vector<16xi32>,
    %get3A_440 = vector.shape_cast %get3A_439 : vector<16xi32> to vector<16xi32>
    %mul3A_441 = arith.constant 16384 : i32
    %mul3A_442 = vector.broadcast %mul3A_441 : i32 to vector<16xi32>
    %mul3A_443 = arith.muli %get3A_440, %mul3A_442 : vector<16xi32>
    %add3A_444 = arith.addi %mul3A_443, %iota3A : vector<16xi32>
    %add3A_445 = arith.constant 384 : i32
    %add3A_446 = arith.addi %mul3A_2, %add3A_445 : i32
    %add3A_447 = vector.broadcast %add3A_446 : i32 to vector<16xi32>
    %add3A_448 = arith.addi %add3A_444, %add3A_447 : vector<16xi32>
    %swap3A_449 = arith.constant 3 : i32
    %swap3A_450 = arith.index_cast %swap3A_449 : i32 to index
    %swap3A_451 = arith.constant 0 : index
    %swap3A_452 = tpu.vector_load %arg6[%swap3A_450, %swap3A_451] {strides = array<i32>} : memref<4x128xi32, #tpu.memory_space<vmem>>, vector<1x16xi32>,
    %swap3A_453 = vector.shape_cast %swap3A_452 : vector<1x16xi32> to vector<16xi32>
    %swap3A_454 = vector.shape_cast %add3A_448 : vector<16xi32> to vector<1x16xi32>
    tpu.vector_store %arg6[%swap3A_450, %swap3A_451], %swap3A_454 {strides = array<i32>} : memref<4x128xi32, #tpu.memory_space<vmem>>, vector<1x16xi32>,
    %get3A_455 = arith.constant 400 : index
    %get3A_456 = tpu.vector_load %arg5[%get3A_455] {strides = array<i32>} : memref<512xi32, #tpu.memory_space<vmem>>, vector<16xi32>,
    %get3A_457 = vector.shape_cast %get3A_456 : vector<16xi32> to vector<16xi32>
    %mul3A_458 = arith.constant 16384 : i32
    %mul3A_459 = vector.broadcast %mul3A_458 : i32 to vector<16xi32>
    %mul3A_460 = arith.muli %get3A_457, %mul3A_459 : vector<16xi32>
    %add3A_461 = arith.addi %mul3A_460, %iota3A : vector<16xi32>
    %add3A_462 = arith.constant 400 : i32
    %add3A_463 = arith.addi %mul3A_2, %add3A_462 : i32
    %add3A_464 = vector.broadcast %add3A_463 : i32 to vector<16xi32>
    %add3A_465 = arith.addi %add3A_461, %add3A_464 : vector<16xi32>
    %swap3A_466 = arith.constant 3 : i32
    %swap3A_467 = arith.index_cast %swap3A_466 : i32 to index
    %swap3A_468 = arith.constant 16 : index
    %swap3A_469 = tpu.vector_load %arg6[%swap3A_467, %swap3A_468] {strides = array<i32>} : memref<4x128xi32, #tpu.memory_space<vmem>>, vector<1x16xi32>,
    %swap3A_470 = vector.shape_cast %swap3A_469 : vector<1x16xi32> to vector<16xi32>
    %swap3A_471 = vector.shape_cast %add3A_465 : vector<16xi32> to vector<1x16xi32>
    tpu.vector_store %arg6[%swap3A_467, %swap3A_468], %swap3A_471 {strides = array<i32>} : memref<4x128xi32, #tpu.memory_space<vmem>>, vector<1x16xi32>,
    %get3A_472 = arith.constant 416 : index
    %get3A_473 = tpu.vector_load %arg5[%get3A_472] {strides = array<i32>} : memref<512xi32, #tpu.memory_space<vmem>>, vector<16xi32>,
    %get3A_474 = vector.shape_cast %get3A_473 : vector<16xi32> to vector<16xi32>
    %mul3A_475 = arith.constant 16384 : i32
    %mul3A_476 = vector.broadcast %mul3A_475 : i32 to vector<16xi32>
    %mul3A_477 = arith.muli %get3A_474, %mul3A_476 : vector<16xi32>
    %add3A_478 = arith.addi %mul3A_477, %iota3A : vector<16xi32>
    %add3A_479 = arith.constant 416 : i32
    %add3A_480 = arith.addi %mul3A_2, %add3A_479 : i32
    %add3A_481 = vector.broadcast %add3A_480 : i32 to vector<16xi32>
    %add3A_482 = arith.addi %add3A_478, %add3A_481 : vector<16xi32>
    %swap3A_483 = arith.constant 3 : i32
    %swap3A_484 = arith.index_cast %swap3A_483 : i32 to index
    %swap3A_485 = arith.constant 32 : index
    %swap3A_486 = tpu.vector_load %arg6[%swap3A_484, %swap3A_485] {strides = array<i32>} : memref<4x128xi32, #tpu.memory_space<vmem>>, vector<1x16xi32>,
    %swap3A_487 = vector.shape_cast %swap3A_486 : vector<1x16xi32> to vector<16xi32>
    %swap3A_488 = vector.shape_cast %add3A_482 : vector<16xi32> to vector<1x16xi32>
    tpu.vector_store %arg6[%swap3A_484, %swap3A_485], %swap3A_488 {strides = array<i32>} : memref<4x128xi32, #tpu.memory_space<vmem>>, vector<1x16xi32>,
    %get3A_489 = arith.constant 432 : index
    %get3A_490 = tpu.vector_load %arg5[%get3A_489] {strides = array<i32>} : memref<512xi32, #tpu.memory_space<vmem>>, vector<16xi32>,
    %get3A_491 = vector.shape_cast %get3A_490 : vector<16xi32> to vector<16xi32>
    %mul3A_492 = arith.constant 16384 : i32
    %mul3A_493 = vector.broadcast %mul3A_492 : i32 to vector<16xi32>
    %mul3A_494 = arith.muli %get3A_491, %mul3A_493 : vector<16xi32>
    %add3A_495 = arith.addi %mul3A_494, %iota3A : vector<16xi32>
    %add3A_496 = arith.constant 432 : i32
    %add3A_497 = arith.addi %mul3A_2, %add3A_496 : i32
    %add3A_498 = vector.broadcast %add3A_497 : i32 to vector<16xi32>
    %add3A_499 = arith.addi %add3A_495, %add3A_498 : vector<16xi32>
    %swap3A_500 = arith.constant 3 : i32
    %swap3A_501 = arith.index_cast %swap3A_500 : i32 to index
    %swap3A_502 = arith.constant 48 : index
    %swap3A_503 = tpu.vector_load %arg6[%swap3A_501, %swap3A_502] {strides = array<i32>} : memref<4x128xi32, #tpu.memory_space<vmem>>, vector<1x16xi32>,
    %swap3A_504 = vector.shape_cast %swap3A_503 : vector<1x16xi32> to vector<16xi32>
    %swap3A_505 = vector.shape_cast %add3A_499 : vector<16xi32> to vector<1x16xi32>
    tpu.vector_store %arg6[%swap3A_501, %swap3A_502], %swap3A_505 {strides = array<i32>} : memref<4x128xi32, #tpu.memory_space<vmem>>, vector<1x16xi32>,
    %get3A_506 = arith.constant 448 : index
    %get3A_507 = tpu.vector_load %arg5[%get3A_506] {strides = array<i32>} : memref<512xi32, #tpu.memory_space<vmem>>, vector<16xi32>,
    %get3A_508 = vector.shape_cast %get3A_507 : vector<16xi32> to vector<16xi32>
    %mul3A_509 = arith.constant 16384 : i32
    %mul3A_510 = vector.broadcast %mul3A_509 : i32 to vector<16xi32>
    %mul3A_511 = arith.muli %get3A_508, %mul3A_510 : vector<16xi32>
    %add3A_512 = arith.addi %mul3A_511, %iota3A : vector<16xi32>
    %add3A_513 = arith.constant 448 : i32
    %add3A_514 = arith.addi %mul3A_2, %add3A_513 : i32
    %add3A_515 = vector.broadcast %add3A_514 : i32 to vector<16xi32>
    %add3A_516 = arith.addi %add3A_512, %add3A_515 : vector<16xi32>
    %swap3A_517 = arith.constant 3 : i32
    %swap3A_518 = arith.index_cast %swap3A_517 : i32 to index
    %swap3A_519 = arith.constant 64 : index
    %swap3A_520 = tpu.vector_load %arg6[%swap3A_518, %swap3A_519] {strides = array<i32>} : memref<4x128xi32, #tpu.memory_space<vmem>>, vector<1x16xi32>,
    %swap3A_521 = vector.shape_cast %swap3A_520 : vector<1x16xi32> to vector<16xi32>
    %swap3A_522 = vector.shape_cast %add3A_516 : vector<16xi32> to vector<1x16xi32>
    tpu.vector_store %arg6[%swap3A_518, %swap3A_519], %swap3A_522 {strides = array<i32>} : memref<4x128xi32, #tpu.memory_space<vmem>>, vector<1x16xi32>,
    %get3A_523 = arith.constant 464 : index
    %get3A_524 = tpu.vector_load %arg5[%get3A_523] {strides = array<i32>} : memref<512xi32, #tpu.memory_space<vmem>>, vector<16xi32>,
    %get3A_525 = vector.shape_cast %get3A_524 : vector<16xi32> to vector<16xi32>
    %mul3A_526 = arith.constant 16384 : i32
    %mul3A_527 = vector.broadcast %mul3A_526 : i32 to vector<16xi32>
    %mul3A_528 = arith.muli %get3A_525, %mul3A_527 : vector<16xi32>
    %add3A_529 = arith.addi %mul3A_528, %iota3A : vector<16xi32>
    %add3A_530 = arith.constant 464 : i32
    %add3A_531 = arith.addi %mul3A_2, %add3A_530 : i32
    %add3A_532 = vector.broadcast %add3A_531 : i32 to vector<16xi32>
    %add3A_533 = arith.addi %add3A_529, %add3A_532 : vector<16xi32>
    %swap3A_534 = arith.constant 3 : i32
    %swap3A_535 = arith.index_cast %swap3A_534 : i32 to index
    %swap3A_536 = arith.constant 80 : index
    %swap3A_537 = tpu.vector_load %arg6[%swap3A_535, %swap3A_536] {strides = array<i32>} : memref<4x128xi32, #tpu.memory_space<vmem>>, vector<1x16xi32>,
    %swap3A_538 = vector.shape_cast %swap3A_537 : vector<1x16xi32> to vector<16xi32>
    %swap3A_539 = vector.shape_cast %add3A_533 : vector<16xi32> to vector<1x16xi32>
    tpu.vector_store %arg6[%swap3A_535, %swap3A_536], %swap3A_539 {strides = array<i32>} : memref<4x128xi32, #tpu.memory_space<vmem>>, vector<1x16xi32>,
    %get3A_540 = arith.constant 480 : index
    %get3A_541 = tpu.vector_load %arg5[%get3A_540] {strides = array<i32>} : memref<512xi32, #tpu.memory_space<vmem>>, vector<16xi32>,
    %get3A_542 = vector.shape_cast %get3A_541 : vector<16xi32> to vector<16xi32>
    %mul3A_543 = arith.constant 16384 : i32
    %mul3A_544 = vector.broadcast %mul3A_543 : i32 to vector<16xi32>
    %mul3A_545 = arith.muli %get3A_542, %mul3A_544 : vector<16xi32>
    %add3A_546 = arith.addi %mul3A_545, %iota3A : vector<16xi32>
    %add3A_547 = arith.constant 480 : i32
    %add3A_548 = arith.addi %mul3A_2, %add3A_547 : i32
    %add3A_549 = vector.broadcast %add3A_548 : i32 to vector<16xi32>
    %add3A_550 = arith.addi %add3A_546, %add3A_549 : vector<16xi32>
    %swap3A_551 = arith.constant 3 : i32
    %swap3A_552 = arith.index_cast %swap3A_551 : i32 to index
    %swap3A_553 = arith.constant 96 : index
    %swap3A_554 = tpu.vector_load %arg6[%swap3A_552, %swap3A_553] {strides = array<i32>} : memref<4x128xi32, #tpu.memory_space<vmem>>, vector<1x16xi32>,
    %swap3A_555 = vector.shape_cast %swap3A_554 : vector<1x16xi32> to vector<16xi32>
    %swap3A_556 = vector.shape_cast %add3A_550 : vector<16xi32> to vector<1x16xi32>
    tpu.vector_store %arg6[%swap3A_552, %swap3A_553], %swap3A_556 {strides = array<i32>} : memref<4x128xi32, #tpu.memory_space<vmem>>, vector<1x16xi32>,
    %get3A_557 = arith.constant 496 : index
    %get3A_558 = tpu.vector_load %arg5[%get3A_557] {strides = array<i32>} : memref<512xi32, #tpu.memory_space<vmem>>, vector<16xi32>,
    %get3A_559 = vector.shape_cast %get3A_558 : vector<16xi32> to vector<16xi32>
    %mul3A_560 = arith.constant 16384 : i32
    %mul3A_561 = vector.broadcast %mul3A_560 : i32 to vector<16xi32>
    %mul3A_562 = arith.muli %get3A_559, %mul3A_561 : vector<16xi32>
    %add3A_563 = arith.addi %mul3A_562, %iota3A : vector<16xi32>
    %add3A_564 = arith.constant 496 : i32
    %add3A_565 = arith.addi %mul3A_2, %add3A_564 : i32
    %add3A_566 = vector.broadcast %add3A_565 : i32 to vector<16xi32>
    %add3A_567 = arith.addi %add3A_563, %add3A_566 : vector<16xi32>
    %swap3A_568 = arith.constant 3 : i32
    %swap3A_569 = arith.index_cast %swap3A_568 : i32 to index
    %swap3A_570 = arith.constant 112 : index
    %swap3A_571 = tpu.vector_load %arg6[%swap3A_569, %swap3A_570] {strides = array<i32>} : memref<4x128xi32, #tpu.memory_space<vmem>>, vector<1x16xi32>,
    %swap3A_572 = vector.shape_cast %swap3A_571 : vector<1x16xi32> to vector<16xi32>
    %swap3A_573 = vector.shape_cast %add3A_567 : vector<16xi32> to vector<1x16xi32>
    tpu.vector_store %arg6[%swap3A_569, %swap3A_570], %swap3A_573 {strides = array<i32>} : memref<4x128xi32, #tpu.memory_space<vmem>>, vector<1x16xi32>,
    %dma_start3A_574 = arith.constant 3 : i32
    %dma_start3A_575 = arith.constant 384 : i32
    %dma_start3A_576 = arith.constant 0 : i32
    %dma_start3A_577 = tpu.memref_slice %arg7[%dma_start3A_575, %dma_start3A_576] : memref<512x128xf32, #tpu.memory_space<vmem>> -> memref<128x128xf32, #tpu.memory_space<vmem>>
    %dma_start3A_578 = arith.constant 0 : i32
    %dma_start3A_579 = tpu.memref_slice %arg6[%dma_start3A_574, %dma_start3A_578] : memref<4x128xi32, #tpu.memory_space<vmem>> -> memref<1x128xi32, #tpu.memory_space<vmem>>
    %dma_start3A_580 = tpu.memref_squeeze %dma_start3A_579 : memref<1x128xi32, #tpu.memory_space<vmem>> -> memref<128xi32, #tpu.memory_space<vmem>>
    %dma_start3A_581 = arith.constant 0 : i32
    %dma_start3A_582 = arith.constant 0 : i32
    %dma_start3A_583 = tpu.memref_slice %arg2[%dma_start3A_581, %dma_start3A_582] : memref<425984x128xf32, #tpu.memory_space<hbm>> -> memref<425984x128xf32, #tpu.memory_space<hbm>>
    tpu.enqueue_indirect_dma source(%dma_start3A_583 : memref<425984x128xf32, #tpu.memory_space<hbm>>) target(%dma_start3A_577 : memref<128x128xf32, #tpu.memory_space<vmem>>) offsets(%dma_start3A_580 : memref<128xi32, #tpu.memory_space<vmem>>) semaphore(%arg8 : memref<!tpu.dma_semaphore, #tpu.memory_space<semaphore_mem>>)
    %dma_wait3A = arith.constant 0 : i32
    %dma_wait3A_584 = arith.constant 0 : i32
    %dma_wait3A_585 = arith.constant 0 : i32
    %dma_wait3A_586 = tpu.memref_slice %arg7[%dma_wait3A_584, %dma_wait3A_585] : memref<512x128xf32, #tpu.memory_space<vmem>> -> memref<128x128xf32, #tpu.memory_space<vmem>>
    %dma_wait3A_587 = arith.constant 0 : i32
    %dma_wait3A_588 = tpu.memref_slice %arg6[%dma_wait3A, %dma_wait3A_587] : memref<4x128xi32, #tpu.memory_space<vmem>> -> memref<1x128xi32, #tpu.memory_space<vmem>>
    %dma_wait3A_589 = tpu.memref_squeeze %dma_wait3A_588 : memref<1x128xi32, #tpu.memory_space<vmem>> -> memref<128xi32, #tpu.memory_space<vmem>>
    %dma_wait3A_590 = arith.constant 0 : i32
    %dma_wait3A_591 = arith.constant 0 : i32
    %dma_wait3A_592 = tpu.memref_slice %arg2[%dma_wait3A_590, %dma_wait3A_591] : memref<425984x128xf32, #tpu.memory_space<hbm>> -> memref<425984x128xf32, #tpu.memory_space<hbm>>
    tpu.wait_indirect_dma semaphore(%arg8 : memref<!tpu.dma_semaphore, #tpu.memory_space<semaphore_mem>>) src(%dma_wait3A_592 : memref<425984x128xf32, #tpu.memory_space<hbm>>) dst(%dma_wait3A_586 : memref<128x128xf32, #tpu.memory_space<vmem>>)
    %dma_wait3A_593 = arith.constant 1 : i32
    %dma_wait3A_594 = arith.constant 128 : i32
    %dma_wait3A_595 = arith.constant 0 : i32
    %dma_wait3A_596 = tpu.memref_slice %arg7[%dma_wait3A_594, %dma_wait3A_595] : memref<512x128xf32, #tpu.memory_space<vmem>> -> memref<128x128xf32, #tpu.memory_space<vmem>>
    %dma_wait3A_597 = arith.constant 0 : i32
    %dma_wait3A_598 = tpu.memref_slice %arg6[%dma_wait3A_593, %dma_wait3A_597] : memref<4x128xi32, #tpu.memory_space<vmem>> -> memref<1x128xi32, #tpu.memory_space<vmem>>
    %dma_wait3A_599 = tpu.memref_squeeze %dma_wait3A_598 : memref<1x128xi32, #tpu.memory_space<vmem>> -> memref<128xi32, #tpu.memory_space<vmem>>
    %dma_wait3A_600 = arith.constant 0 : i32
    %dma_wait3A_601 = arith.constant 0 : i32
    %dma_wait3A_602 = tpu.memref_slice %arg2[%dma_wait3A_600, %dma_wait3A_601] : memref<425984x128xf32, #tpu.memory_space<hbm>> -> memref<425984x128xf32, #tpu.memory_space<hbm>>
    tpu.wait_indirect_dma semaphore(%arg8 : memref<!tpu.dma_semaphore, #tpu.memory_space<semaphore_mem>>) src(%dma_wait3A_602 : memref<425984x128xf32, #tpu.memory_space<hbm>>) dst(%dma_wait3A_596 : memref<128x128xf32, #tpu.memory_space<vmem>>)
    %dma_wait3A_603 = arith.constant 2 : i32
    %dma_wait3A_604 = arith.constant 256 : i32
    %dma_wait3A_605 = arith.constant 0 : i32
    %dma_wait3A_606 = tpu.memref_slice %arg7[%dma_wait3A_604, %dma_wait3A_605] : memref<512x128xf32, #tpu.memory_space<vmem>> -> memref<128x128xf32, #tpu.memory_space<vmem>>
    %dma_wait3A_607 = arith.constant 0 : i32
    %dma_wait3A_608 = tpu.memref_slice %arg6[%dma_wait3A_603, %dma_wait3A_607] : memref<4x128xi32, #tpu.memory_space<vmem>> -> memref<1x128xi32, #tpu.memory_space<vmem>>
    %dma_wait3A_609 = tpu.memref_squeeze %dma_wait3A_608 : memref<1x128xi32, #tpu.memory_space<vmem>> -> memref<128xi32, #tpu.memory_space<vmem>>
    %dma_wait3A_610 = arith.constant 0 : i32
    %dma_wait3A_611 = arith.constant 0 : i32
    %dma_wait3A_612 = tpu.memref_slice %arg2[%dma_wait3A_610, %dma_wait3A_611] : memref<425984x128xf32, #tpu.memory_space<hbm>> -> memref<425984x128xf32, #tpu.memory_space<hbm>>
    tpu.wait_indirect_dma semaphore(%arg8 : memref<!tpu.dma_semaphore, #tpu.memory_space<semaphore_mem>>) src(%dma_wait3A_612 : memref<425984x128xf32, #tpu.memory_space<hbm>>) dst(%dma_wait3A_606 : memref<128x128xf32, #tpu.memory_space<vmem>>)
    %dma_wait3A_613 = arith.constant 3 : i32
    %dma_wait3A_614 = arith.constant 384 : i32
    %dma_wait3A_615 = arith.constant 0 : i32
    %dma_wait3A_616 = tpu.memref_slice %arg7[%dma_wait3A_614, %dma_wait3A_615] : memref<512x128xf32, #tpu.memory_space<vmem>> -> memref<128x128xf32, #tpu.memory_space<vmem>>
    %dma_wait3A_617 = arith.constant 0 : i32
    %dma_wait3A_618 = tpu.memref_slice %arg6[%dma_wait3A_613, %dma_wait3A_617] : memref<4x128xi32, #tpu.memory_space<vmem>> -> memref<1x128xi32, #tpu.memory_space<vmem>>
    %dma_wait3A_619 = tpu.memref_squeeze %dma_wait3A_618 : memref<1x128xi32, #tpu.memory_space<vmem>> -> memref<128xi32, #tpu.memory_space<vmem>>
    %dma_wait3A_620 = arith.constant 0 : i32
    %dma_wait3A_621 = arith.constant 0 : i32
    %dma_wait3A_622 = tpu.memref_slice %arg2[%dma_wait3A_620, %dma_wait3A_621] : memref<425984x128xf32, #tpu.memory_space<hbm>> -> memref<425984x128xf32, #tpu.memory_space<hbm>>
    tpu.wait_indirect_dma semaphore(%arg8 : memref<!tpu.dma_semaphore, #tpu.memory_space<semaphore_mem>>) src(%dma_wait3A_622 : memref<425984x128xf32, #tpu.memory_space<hbm>>) dst(%dma_wait3A_616 : memref<128x128xf32, #tpu.memory_space<vmem>>)
    "tpu.region"() ({
      %run_scoped3A = tpu.sem_alloc : memref<!tpu.dma_semaphore, #tpu.memory_space<semaphore_mem>>
      %dma_start3A_623 = arith.constant 0 : i32
      %dma_start3A_624 = tpu.memref_slice %arg4[%mul3A_2, %dma_start3A_623] : memref<16384x128xf32, #tpu.memory_space<hbm>> -> memref<512x128xf32, #tpu.memory_space<hbm>>
      %dma_start3A_625 = arith.constant 0 : i32
      %dma_start3A_626 = tpu.memref_slice %arg4[%mul3A_2, %dma_start3A_625] : memref<16384x128xf32, #tpu.memory_space<hbm>> -> memref<512x128xf32, #tpu.memory_space<hbm>>
      tpu.enqueue_dma source(%arg7 : memref<512x128xf32, #tpu.memory_space<vmem>>) target(%dma_start3A_626 : memref<512x128xf32, #tpu.memory_space<hbm>>) target_semaphore(%run_scoped3A : memref<!tpu.dma_semaphore, #tpu.memory_space<semaphore_mem>>)
      %dma_wait3A_627 = arith.constant 0 : i32
      %dma_wait3A_628 = tpu.memref_slice %arg4[%mul3A_2, %dma_wait3A_627] : memref<16384x128xf32, #tpu.memory_space<hbm>> -> memref<512x128xf32, #tpu.memory_space<hbm>>
      %dma_wait3A_629 = arith.constant 0 : i32
      %dma_wait3A_630 = tpu.memref_slice %arg4[%mul3A_2, %dma_wait3A_629] : memref<16384x128xf32, #tpu.memory_space<hbm>> -> memref<512x128xf32, #tpu.memory_space<hbm>>
      tpu.wait_dma2 semaphore(%run_scoped3A : memref<!tpu.dma_semaphore, #tpu.memory_space<semaphore_mem>>) src(%arg7 : memref<512x128xf32, #tpu.memory_space<vmem>>) dst(%dma_wait3A_630 : memref<512x128xf32, #tpu.memory_space<hbm>>)
      tpu.yield
    }) : () -> ()
    return
  }
}

</mosaic_0001>

<sc_bundles>
// kernel: kernel.3.cloned.1.call-start
scs
__scs_entry_jumppad:
0x0: {  	(pc) =	sbr.rel $0x88, $3  }
0x1: {  	(tag) =	ssettag $0x0;
	lr =	simm.s32 $0x1  }
0x2: {  	[smem:$0x3F9F] =	sst lr;
	_ =	strace $0xD0000000  }
0x3: {  	_ = 	snop  }
0x4: {  	_ = 	snop  }
0x5: {  	_ = 	snop  }
0x6: {  	_ = 	snop  }
0x7: {  	_ = 	snop  }
__scs_overlays_trampoline_lowered:
0x8: {  	[smem:$0x3FAE] =	sst s0  }
0x9: {  	[smem:$0x3FAF] =	sst s1  }
0xa: {  	[smem:$0x3FB0] =	sst s2  }
0xb: {  	[smem:$0x3FB1] =	sst s3  }
0xc: {  	[smem:$0x3FB2] =	sst s4  }
0xd: {  	[smem:$0x3FB3] =	sst s5  }
0xe: {  	[smem:$0x3FB4] =	sst s6  }
0xf: {  	[smem:$0x3FB5] =	sst s7  }
0x10: {  	[smem:$0x3FB6] =	sst s8  }
0x11: {  	[smem:$0x3FB7] =	sst s9;
	s0 =	simm.s32 @!p0 $0x0  }
0x12: {  	s1 =	sld [smem:$0x3F9D];
	s0 =	simm.s32 @p0 $0x1  }
0x13: {  	[smem:$0x3FB8] =	sst s0;
	s0 =	simm.s32 @!p1 $0x0  }
0x14: {  	s2 =	sld [smem:$0x3F9C];
	s0 =	simm.s32 @p1 $0x1  }
0x15: {  	[smem:$0x3FB9] =	sst s0;
	s0 =	simm.s32 @!p2 $0x0  }
0x16: {  	s3 =	sld [smem:$0x3FDB];
	s0 =	simm.s32 @p2 $0x1  }
0x17: {  	s4 =	simm.s32 $0x1BF5;
	[smem:$0x3FBB] =	sst s0  }
0x18: {  	s0 =	sld [smem:$0x3F9E];
	_ =	swait.ge [sflag:s4], $0x0  }
0x19: {  	s7 =	sld [smem:$0x3F9F]  }
0x1a: {  	s8 =	sadd.s32 $0xFFFFE003, lr  }
0x1b: {  	s9 =	sadd.s32 $0xFFFFFEF7, lr;
	s5 =	simm.s32 $0xFFFFFFFF;
	p2 =	slt.u32 s8, $0xFFFFF086  }
0x1c: {  	p1 =	slt.u32 s9, $0xF7A;
	s5 =	simm.s32 @!p2 $0x0  }
0x1d: {  	s5 =	simm.s32 @p1 $0x1;
	p0 =	seq.s32 s7, s2  }
0x1e: {  	s7 =	smul.u32 @!p0 $0xF7A, s2;
	p2 =	seq.s32 @!p0 s5, $0x0  }
0x1f: {  	s9 =	smul.u32 $0xF7A, s1;
	s8 =	simm.s32 @!p0 $0x1BF5;
	p2 =	por !p2, p0  }
0x20: {  	[sflag:s8] =	ssyncset.s32 @!p0 $0xFFFFF086;
	s6 =	sadd.s32 @!p0 s3, s7;
	s7 =	simm.s32 @!p0 $0x108  }
0x21: {  	s3 =	sadd.s32 s3, s9;
	s6 =	sadd.s32 @!p0 $0x88, s6;
	s7 =	simm.s32 @p2 $0x1082  }
0x22: {  	[simem:s7], [sflag:s8] =	dma.local @!p0 [hbm:s6], $0xF7A  }
0x23: {  	s9 =	sor.u32 $0xD0000000, s2;
	s6 =	simm.s32 $0x108;
	_ =	swait.ge @!p0 [sflag:s8], $0x0  }
0x24: {  	s3 =	sadd.s32 $0x88, s3;
	s6 =	simm.s32 @!p1 $0x1082;
	[sflag:s4] =	ssyncset.s32 $0xFFFFF086  }
0x25: {  	[simem:s6], [sflag:s4] =	dma.local [hbm:s3], $0xF7A  }
0x26: {  	[smem:$0x3F9F] =	sst s1;
	(tag) =	ssettag s2;
	_ =	strace s9  }
0x27: {  	s1 =	sld [smem:$0x3FAF]  }
0x28: {  	s2 =	sld [smem:$0x3FB0]  }
0x29: {  	s4 =	sld [smem:$0x3FB2]  }
0x2a: {  	p0 =	seq.s32 s5, $0x0;
	s5 =	sld [smem:$0x3FB3]  }
0x2b: {  	s6 =	sld [smem:$0x3FB4]  }
0x2c: {  	s7 =	sld [smem:$0x3FB5]  }
0x2d: {  	s3 =	simm.s32 $0x108;
	s8 =	sld [smem:$0x3FB6]  }
0x2e: {  	s3 =	simm.s32 @!p0 $0x1082;
	s9 =	sld [smem:$0x3FB7]  }
0x2f: {  	lr =	sadd.s32 s0, s3;
	s0 =	sld [smem:$0x3FAE]  }
0x30: {  	s3 =	sld [smem:$0x3FB1]  }
0x31: {  	[smem:$0x3FBA] =	sst s10  }
0x32: {  	s10 =	sld [smem:$0x3FB8];
	_ =	sdelay $0x3  }
0x33: {  	p0 =	seq.s32 s10, $0x1;
	s10 =	sld [smem:$0x3FBA];
	_ =	sdelay $0x3  }
0x34: {  	[smem:$0x3FBA] =	sst s10  }
0x35: {  	s10 =	sld [smem:$0x3FB9];
	_ =	sdelay $0x3  }
0x36: {  	p1 =	seq.s32 s10, $0x1;
	s10 =	sld [smem:$0x3FBA];
	_ =	sdelay $0x3  }
0x37: {  	[smem:$0x3FBA] =	sst s10  }
0x38: {  	s10 =	sld [smem:$0x3FBB]  }
0x39: {  	_ = 	snop;
	(pc) =	sbr.ind lr, $3  }
0x3a: {  	_ = 	snop  }
0x3b: {  	_ = 	snop  }
0x3c: {  	p2 =	seq.s32 s10, $0x1;
	s10 =	sld [smem:$0x3FBA]  }
0x3d: {  	_ =	shalt  }
0x3e: {  	_ =	shalt  }
0x3f: {  	_ =	shalt  }
0x40: {  	_ =	shalt  }
0x41: {  	_ =	shalt  }
0x42: {  	_ =	shalt  }
0x43: {  	_ =	shalt  }
0x44: {  	_ =	shalt  }
0x45: {  	_ =	shalt  }
0x46: {  	_ =	shalt  }
0x47: {  	_ =	shalt  }
0x48: {  	_ =	shalt  }
0x49: {  	_ =	shalt  }
0x4a: {  	_ =	shalt  }
0x4b: {  	_ =	shalt  }
0x4c: {  	_ =	shalt  }
0x4d: {  	_ =	shalt  }
0x4e: {  	_ =	shalt  }
0x4f: {  	_ =	shalt  }
0x50: {  	_ =	shalt  }
0x51: {  	_ =	shalt  }
0x52: {  	_ =	shalt  }
0x53: {  	_ =	shalt  }
0x54: {  	_ =	shalt  }
0x55: {  	_ =	shalt  }
0x56: {  	_ =	shalt  }
0x57: {  	_ =	shalt  }
0x58: {  	_ =	shalt  }
0x59: {  	_ =	shalt  }
0x5a: {  	_ =	shalt  }
0x5b: {  	_ =	shalt  }
0x5c: {  	_ =	shalt  }
0x5d: {  	_ =	shalt  }
0x5e: {  	_ =	shalt  }
0x5f: {  	_ =	shalt  }
0x60: {  	_ =	shalt  }
0x61: {  	_ =	shalt  }
0x62: {  	_ =	shalt  }
0x63: {  	_ =	shalt  }
0x64: {  	_ =	shalt  }
0x65: {  	_ =	shalt  }
0x66: {  	_ =	shalt  }
0x67: {  	_ =	shalt  }
0x68: {  	_ =	shalt  }
0x69: {  	_ =	shalt  }
0x6a: {  	_ =	shalt  }
0x6b: {  	_ =	shalt  }
0x6c: {  	_ =	shalt  }
0x6d: {  	_ =	shalt  }
0x6e: {  	_ =	shalt  }
0x6f: {  	_ =	shalt  }
0x70: {  	_ =	shalt  }
0x71: {  	_ =	shalt  }
0x72: {  	_ =	shalt  }
0x73: {  	_ =	shalt  }
0x74: {  	_ =	shalt  }
0x75: {  	_ =	shalt  }
0x76: {  	_ =	shalt  }
0x77: {  	_ =	shalt  }
0x78: {  	_ =	shalt  }
0x79: {  	_ =	shalt  }
0x7a: {  	_ =	shalt  }
0x7b: {  	_ =	shalt  }
0x7c: {  	_ =	shalt  }
0x7d: {  	_ =	shalt  }
0x7e: {  	_ =	shalt  }
0x7f: {  	_ =	shalt  }
0x80: {  	_ =	shalt  }
0x81: {  	_ =	shalt  }
0x82: {  	_ =	shalt  }
0x83: {  	_ =	shalt  }
0x84: {  	_ =	shalt  }
0x85: {  	_ =	shalt  }
0x86: {  	_ =	shalt  }
0x87: {  	_ =	shalt  }
.Lfunc_end0:
.L_simem_size_0:
called_computation_lowered:
.L_overlay_start_0:
0x88: {  	s2 =	sld [smem:$0x3FD9]  }
0x89: {  	s3 =	sld [smem:$0x3FFE];
	_ =	sdelay $0x1  }
0x8a: {  	s1 =	srdreg.scid  }
0x8b: {  	s0 =	sand.u32 $0x1, s1  }
0x8c: {  	s18 =	sshll.u32 s0, $0xA;
	s2 =	sadd.s32 s3, s2  }
0x8d: {  	s2 =	sadd.s32 s2, s18  }
0x8e: {  	[smem:$0x3FC6] =	sst s2  }
0x8f: {  	_ = 	snop  }
0x90: {  	s2 =	sld [smem:$0x3FC9]  }
0x91: {  	s19 =	sld [smem:$0x3FC8]  }
0x92: {  	s4 =	sld [smem:$0x3FD0];
	(tm) =	ssettm $0x1  }
0x93: {  	s5 =	sld [smem:$0x3FFB];
	_ =	sdelay $0x3  }
0x94: {  	_ =	strace s5  }
0x95: {  	s5 =	sld [smem:$0x3FFC];
	_ =	sdelay $0x3  }
0x96: {  	_ =	strace s5  }
0x97: {  	s5 =	sld [smem:$0x3FFD];
	_ =	sdelay $0x3  }
0x98: {  	_ =	strace s5  }
0x99: {  	_ =	strace $0x8FFFFFFF  }
0x9a: {  	s20 =	sld [smem:$0x3FDB];
	_ =	sdelay $0x1  }
0x9b: {  	s6 =	simm.s32 $_scs_section_size  }
0x9c: {  	s7 =	simm.s32 $_size__tile_overlayer_lowered;
	s8 =	simm.s32 $_tile_overlayer_lowered  }
0x9d: {  	s23 =	simm.s32 $0x1BFF;
	s22 =	sshll.u32 s8, $0x1;
	s5 =	sadd.s32 s6, s20  }
0x9e: {  	s9 =	simm.s32 $0x0;
	s21 =	sshll.u32 s7, $0x1;
	s7 =	sadd.s32 s22, s5  }
0x9f: {  	[timem:s9], [sflag:s23] =	dma.local [hbm:s7], s21  }
0xa0: {  	_ =	swait.ge [sflag:s23], s21  }
0xa1: {  	s6 =	ssub.s32 $0x0, s21;
	[sflag:s23] =	ssyncset.done $0x0  }
0xa2: {  	[sflag:s23] =	ssyncadd.s32 s6;
	_ =	sdelay $0x1  }
0xa3: {  	s24 =	simm.s32 $0x1B8B  }
0xa4: {  	_ =	swait.ge [sflag:s24], $0x1  }
0xa5: {  	[sflag:s24] =	ssyncset.done $0x0  }
0xa6: {  	s25 =	simm.s32 $0x1B8E;
	[sflag:s24] =	ssyncadd.s32 $0xFFFFFFFF  }
0xa7: {  	s26 =	simm.s32 $execute0_lowered;
	[smem:$0x3FD2] =	sst s25  }
0xa8: {  	s6 =	sshll.u32 s26, $0x1;
	_ =	strace $0x80000046;
	[dreg:$0x1] =	wrdreg $0xFFFFFFFF  }
0xa9: {  	s28 =	simm.s32 $_size_execute0_lowered;
	s5 =	sadd.s32 s5, s6;
	[dreg:$0x0] =	wrdreg $0x0  }
0xaa: {  	s6 =	sshll.u32 s28, $0x1;
	[dreg:$0x2] =	wrdreg s5  }
0xab: {  	[dreg:$0x3] =	wrdreg s6  }
0xac: {  	[dreg:$0x4] =	wrdreg $0xC0  }
0xad: {  	_ =	task [dreg:s9], $0x5FFFF  }
0xae: {  	[dreg:$0x1] =	wrdreg $0xFFFFFFFF  }
0xaf: {  	[dreg:$0x0] =	wrdreg $0x60  }
0xb0: {  	[dreg:$0x2] =	wrdreg s2  }
0xb1: {  	[dreg:$0x3] =	wrdreg s19  }
0xb2: {  	[dreg:$0x4] =	wrdreg s4  }
0xb3: {  	[dreg:$0x5] =	wrdreg $0x9  }
0xb4: {  	_ =	task.clear_ibuf [dreg:s9], $0x6FFFF;
	_ =	strace $0x90000046  }
0xb5: {  	s29 =	simm.s32 $0x9;
	_ =	strace $0x80000048  }
0xb6: {  	_ =	swait.ge [sflag:s29], $0x1  }
0xb7: {  	[sflag:s29] =	ssyncadd.s32 $0xFFFFFFFF  }
0xb8: {  	_ =	strace $0x90000048  }
0xb9: {  	_ =	sfence  }
0xba: {  	s30 =	sld [smem:$0x0];
	_ =	sdelay $0x2  }
0xbb: {  	s31 =	sshll.u32 s1, $0xD;
	s1 =	sshrl.u32 s1, $0x2  }
0xbc: {  	s3 =	sand.u32 $0x4000, s31;
	s1 =	sadd.s32 s1, s30  }
0xbd: {  	s0 =	sor.u32 s3, s0;
	s1 =	sshll.u32 s1, $0x11  }
0xbe: {  	s0 =	sor.u32 s1, s0  }
0xbf: {  	s0 =	sadd.s32 $0x8F2B, s0  }
0xc0: {  	[sflag:s0] =	ssyncadd.remote.s32 $0x1  }
0xc1: {  	_ =	sfence.sel $0xFFFF  }
0xc2: {  	[dreg:$0x0] =	wrdreg $0xFFFFFFFF;
	(pc) =	sbr.abs _section_cstart, $3  }
0xc3: {  	[dreg:$0x1] =	wrdreg $0xFFFFFFFF  }
0xc4: {  	_ =	task.clear_ibuf [dreg:s9], $0x2FFFF;
	_ =	strace $0x9FFFFFFF  }
0xc5: {  	(tm) =	ssettm $0x7FFFFFFF  }
tec
execute0_lowered:
.L_overlay_start_1:
0x0: {  	(tag) =	ssettag $0x1  }
0x1: {  	s4 =	rddreg [dreg:$0x0];
	s1 =	srdreg.scid  }
0x2: {  	s3 =	rddreg [dreg:$0x1];
	s0 =	stileid.u32;
	s11 =	sand.u32 $0x1, s1  }
0x3: {  	s9 =	rddreg [dreg:$0x2];
	s5 =	sshll.u32 s0, $0xA;
	s6 =	sshll.u32 s11, $0x9  }
0x4: {  	s2 =	simm.s32 $0x0;
	s1 =	rddreg [dreg:$0x3];
	s10 =	sor.u32 s6, s5  }
0x5: {  	[smem:$0x7FF] =	sst s2;
	s5 =	sshrl.u32 s10, $0x3  }
0x6: {  	_ =	strace $0x80000047;
	s7 =	sadd.s32 s3, s5;
	s3 =	simm.s32 $0x2  }
0x7: {  	[tilespmem:s2], [sflag:$0x2] =	stream.linear.gather [hbm4b:s7+s2], $0x200, $0x38;
	[tilespmem:$0x10400] =	vst v63  }
0x8: {  	_ =	swait.ge [sflag:s3], $0x200  }
0x9: {  	[sflag:s3] =	ssyncset.done $0x0  }
0xa: {  	[sflag:s3] =	ssyncadd.s32 $0xFFFFFE00  }
0xb: {  	v1 =	vld [tilespmem:$0x70]  }
0xc: {  	v2 =	vld [tilespmem:$0x30]  }
0xd: {  	v3 =	vld [tilespmem:$0x40]  }
0xe: {  	v4 =	vld [tilespmem:$0x10]  }
0xf: {  	v14 =	vlaneseq.u32;
	s18 =	sor.u32 $0x70, s10;
	v5 =	vld [tilespmem:$0x60]  }
0x10: {  	s6 =	sor.u32 $0x30, s10;
	v0 =	vor.u32 s18, v14;
	v6 =	vld [tilespmem:$0x20];
	v7 =	vshll.u32 v1, $0xE  }
0x11: {  	s19 =	sor.u32 $0x40, s10;
	v9 =	vld [tilespmem:$0x50];
	v1 =	vor.u32 s6, v14;
	v8 =	vshll.u32 v2, $0xE;
	v7 =	vor.u32 v0, v7  }
0x12: {  	s20 =	sor.u32 $0x10, s10;
	v10 =	vld [tilespmem:$0x0];
	v2 =	vor.u32 s19, v14;
	v11 =	vshll.u32 v3, $0xE;
	v8 =	vor.u32 v1, v8;
	[tilespmem:$0x270] =	vst v7  }
0x13: {  	s21 =	sor.u32 $0x60, s10;
	v3 =	vor.u32 s20, v14;
	v7 =	vshll.u32 v4, $0xE;
	[tilespmem:$0x230] =	vst v8;
	v8 =	vor.u32 v2, v11  }
0x14: {  	s22 =	sor.u32 $0x20, s10;
	v4 =	vor.u32 s21, v14;
	v7 =	vor.u32 v3, v7;
	[tilespmem:$0x240] =	vst v8;
	v8 =	vshll.u32 v5, $0xE  }
0x15: {  	s23 =	sor.u32 $0x50, s10;
	v5 =	vor.u32 s22, v14;
	[tilespmem:$0x210] =	vst v7;
	v7 =	vshll.u32 v6, $0xE;
	v8 =	vor.u32 v4, v8  }
0x16: {  	v9 =	vshll.u32 v9, $0xE;
	v6 =	vor.u32 s23, v14;
	v11 =	vor.u32 v5, v7;
	[tilespmem:$0x260] =	vst v8  }
0x17: {  	v7 =	vor.u32 s10, v14;
	v8 =	vshll.u32 v10, $0xE;
	v9 =	vor.u32 v6, v9;
	[tilespmem:$0x220] =	vst v11  }
0x18: {  	v8 =	vor.u32 v7, v8;
	[tilespmem:$0x250] =	vst v9  }
0x19: {  	s8 =	simm.s32 $0x200;
	s5 =	simm.s32 $0x400;
	s6 =	simm.s32 $0x80;
	[tilespmem:$0x200] =	vst v8  }
0x1a: {  	[tilespmem:s5], [sflag:$0x1] =	stream.indirect.gather [hbm4b:s4+s6], $0x80, s8, s6, $0xb8;
	[tilespmem:$0x10400] =	vst v63  }
0x1b: {  	v9 =	vld [tilespmem:$0xF0]  }
0x1c: {  	v10 =	vld [tilespmem:$0xA0]  }
0x1d: {  	v11 =	vld [tilespmem:$0xC0]  }
0x1e: {  	s25 =	sor.u32 $0x80, s10;
	s15 =	sor.u32 $0xB0, s10;
	v13 =	vld [tilespmem:$0xD0]  }
0x1f: {  	s12 =	sor.u32 $0xF0, s10;
	s26 =	sor.u32 $0x90, s10;
	v20 =	vor.u32 s25, v14;
	v22 =	vor.u32 s15, v14;
	v15 =	vld [tilespmem:$0xE0]  }
0x20: {  	s11 =	ssub.s32 $0x2, s11;
	s14 =	sor.u32 $0xA0, s10;
	v29 =	vor.u32 s26, v14;
	v8 =	vor.u32 s12, v14;
	v16 =	vld [tilespmem:$0x80];
	v12 =	vshll.u32 v9, $0xE  }
0x21: {  	s13 =	sshrl.u32 s11, $0x1;
	s24 =	sor.u32 $0xC0, s10;
	v18 =	vld [tilespmem:$0xB0];
	v9 =	vor.u32 s14, v14;
	v17 =	vshll.u32 v10, $0xE;
	v12 =	vor.u32 v8, v12  }
0x22: {  	s11 =	ssub.s32 s11, s13;
	s28 =	sor.u32 $0xD0, s10;
	v19 =	vld [tilespmem:$0x90];
	v10 =	vor.u32 s24, v14;
	v11 =	vshll.u32 v11, $0xE;
	v17 =	vor.u32 v9, v17;
	[tilespmem:$0x2F0] =	vst v12  }
0x23: {  	s29 =	sor.u32 $0xE0, s10;
	s16 =	sor.u32 $0x100, s10;
	s30 =	sor.u32 $0x110, s10;
	v11 =	vor.u32 v10, v11;
	v12 =	vor.u32 s28, v14;
	[tilespmem:$0x2A0] =	vst v17;
	v17 =	vshll.u32 v13, $0xE  }
0x24: {  	s17 =	sor.u32 $0x120, s10;
	s31 =	sor.u32 $0x140, s10;
	s13 =	simm.s32 $0x300;
	v15 =	vshll.u32 v15, $0xE;
	v13 =	vor.u32 s29, v14;
	[tilespmem:$0x2C0] =	vst v11;
	v11 =	vor.u32 v12, v17  }
0x25: {  	s18 =	sor.u32 $0x130, s10;
	s25 =	sor.u32 $0x1C0, s10;
	v26 =	vor.u32 s30, v14;
	s30 =	sor.u32 $0x1D0, s10;
	v16 =	vshll.u32 v16, $0xE;
	[tilespmem:$0x2D0] =	vst v11;
	v11 =	vor.u32 v13, v15  }
0x26: {  	s26 =	sor.u32 $0x1E0, s10;
	v24 =	vor.u32 s31, v14;
	s15 =	simm.s32 $0x280;
	s31 =	smax.u32 s11, $0x1;
	v15 =	vor.u32 v20, v16;
	v16 =	vshll.u32 v18, $0xE;
	[tilespmem:$0x2E0] =	vst v11  }
0x27: {  	v31 =	vor.u32 s16, v14;
	s16 =	simm.s32 $0x4400;
	s11 =	simm.s32 $0x380;
	p0 =	sne.s32 s31, $0x1;
	v11 =	vshll.u32 v19, $0xE;
	[tilespmem:$0x280] =	vst v15;
	v15 =	vor.u32 v22, v16  }
0x28: {  	v30 =	vor.u32 s17, v14;
	s17 =	sadd.s32 $0xFFFFFFFF, s31;
	s19 =	sor.u32 $0x150, s10;
	s20 =	sor.u32 $0x160, s10;
	v11 =	vor.u32 v29, v11;
	[tilespmem:$0x2B0] =	vst v15  }
.Ltmp0:
0x29: {  	v27 =	vor.u32 s18, v14;
	s21 =	sor.u32 $0x170, s10;
	s22 =	sor.u32 $0x180, s10;
	[tilespmem:$0x290] =	vst v11;
	(pc) =	sbr.rel @!p0 .LBB2_2-.Ltmp0, $4  }
0x2a: {  	v23 =	vor.u32 s19, v14;
	v28 =	vor.u32 s20, v14;
	[tilespmem:s16], [sflag:$0x1] =	stream.indirect.gather [hbm4b:s4+s6], $0x80, s15, s6, $0xb8;
	[tilespmem:$0x10400] =	vst v63  }
0x2b: {  	v25 =	vor.u32 s21, v14;
	s23 =	sor.u32 $0x190, s10;
	v21 =	vor.u32 s22, v14;
	s12 =	simm.s32 $0xC400;
	s29 =	sor.u32 $0x1A0, s10;
	v17 =	vor.u32 s26, v14;
	v32 =	vld [tilespmem:$0x100]  }
0x2c: {  	s24 =	sor.u32 $0x1B0, s10;
	s28 =	sor.u32 $0x1F0, s10;
	s10 =	sshll.u32 s10, $0x4;
	v18 =	vor.u32 s29, v14;
	v16 =	vor.u32 s23, v14;
	v19 =	vor.u32 s30, v14;
	v33 =	vld [tilespmem:$0x110]  }
0x2d: {  	s14 =	simm.s32 $0x8400;
	s9 =	sadd.s32 s9, s10;
	s10 =	simm.s32 $0x1;
	v15 =	vor.u32 s24, v14;
	v11 =	vor.u32 s25, v14;
	v14 =	vor.u32 s28, v14;
	v34 =	vld [tilespmem:$0x120]  }
.LBB2_1:
0x2e: {  	p0 =	sne.s32 s17, $0x1;
	s17 =	sadd.s32 $0xFFFFFFFF, s17;
	v35 =	vld [tilespmem:$0x130]  }
0x2f: {  	v36 =	vld [tilespmem:$0x140]  }
0x30: {  	v32 =	vshll.u32 v32, $0xE;
	v37 =	vld [tilespmem:$0x160]  }
0x31: {  	v32 =	vor.u32 v31, v32;
	v33 =	vshll.u32 v33, $0xE;
	v38 =	vld [tilespmem:$0x170]  }
0x32: {  	[tilespmem:$0x300] =	vst v32;
	v32 =	vor.u32 v26, v33;
	v33 =	vshll.u32 v34, $0xE;
	v34 =	vld [tilespmem:$0x150]  }
0x33: {  	[tilespmem:$0x310] =	vst v32;
	v32 =	vor.u32 v30, v33;
	v33 =	vshll.u32 v35, $0xE  }
0x34: {  	[tilespmem:$0x320] =	vst v32;
	v32 =	vor.u32 v27, v33;
	v33 =	vshll.u32 v36, $0xE  }
0x35: {  	[tilespmem:$0x330] =	vst v32;
	v32 =	vor.u32 v24, v33;
	v33 =	vshll.u32 v37, $0xE  }
0x36: {  	[tilespmem:$0x340] =	vst v32;
	v32 =	vor.u32 v28, v33;
	v33 =	vshll.u32 v38, $0xE  }
0x37: {  	v34 =	vshll.u32 v34, $0xE;
	[tilespmem:$0x360] =	vst v32;
	v32 =	vor.u32 v25, v33  }
0x38: {  	v33 =	vor.u32 v23, v34;
	[tilespmem:$0x370] =	vst v32  }
0x39: {  	[tilespmem:$0x350] =	vst v33  }
0x3a: {  	[tilespmem:s14], [sflag:$0x1] =	stream.indirect.gather [hbm4b:s4+s6], $0x80, s13, s6, $0xb8;
	[tilespmem:$0x10400] =	vst v63  }
0x3b: {  	v32 =	vld [tilespmem:$0x180]  }
0x3c: {  	v33 =	vld [tilespmem:$0x190]  }
0x3d: {  	v34 =	vld [tilespmem:$0x1A0]  }
0x3e: {  	v35 =	vld [tilespmem:$0x1B0]  }
0x3f: {  	v36 =	vld [tilespmem:$0x1D0]  }
0x40: {  	v32 =	vshll.u32 v32, $0xE;
	v37 =	vld [tilespmem:$0x1E0]  }
0x41: {  	v32 =	vor.u32 v21, v32;
	v33 =	vshll.u32 v33, $0xE;
	v38 =	vld [tilespmem:$0x1F0]  }
0x42: {  	[tilespmem:$0x380] =	vst v32;
	v32 =	vor.u32 v16, v33;
	v33 =	vshll.u32 v34, $0xE;
	v34 =	vld [tilespmem:$0x1C0]  }
0x43: {  	[tilespmem:$0x390] =	vst v32;
	v32 =	vor.u32 v18, v33;
	v33 =	vshll.u32 v35, $0xE  }
0x44: {  	[tilespmem:$0x3A0] =	vst v32;
	v32 =	vor.u32 v15, v33;
	v33 =	vshll.u32 v36, $0xE  }
0x45: {  	[tilespmem:$0x3B0] =	vst v32;
	v32 =	vor.u32 v19, v33;
	v33 =	vshll.u32 v37, $0xE  }
0x46: {  	[tilespmem:$0x3D0] =	vst v32;
	v32 =	vor.u32 v17, v33;
	v33 =	vshll.u32 v38, $0xE  }
0x47: {  	v34 =	vshll.u32 v34, $0xE;
	[tilespmem:$0x3E0] =	vst v32;
	v32 =	vor.u32 v14, v33  }
0x48: {  	v33 =	vor.u32 v11, v34;
	[tilespmem:$0x3F0] =	vst v32  }
0x49: {  	[tilespmem:$0x3C0] =	vst v33  }
0x4a: {  	[tilespmem:s12], [sflag:$0x1] =	stream.indirect.gather [hbm4b:s4+s6], $0x80, s11, s6, $0xb8;
	[tilespmem:$0x10400] =	vst v63  }
0x4b: {  	_ =	swait.ge [sflag:s10], $0x4000  }
0x4c: {  	[sflag:s10] =	ssyncset.done $0x0  }
0x4d: {  	[sflag:s10] =	ssyncadd.s32 $0xFFFFC000  }
0x4e: {  	_ =	swait.ge [sflag:s10], $0x4000  }
0x4f: {  	[sflag:s10] =	ssyncset.done $0x0  }
0x50: {  	[sflag:s10] =	ssyncadd.s32 $0xFFFFC000  }
0x51: {  	_ =	swait.ge [sflag:s10], $0x4000  }
0x52: {  	[sflag:s10] =	ssyncset.done $0x0  }
0x53: {  	[sflag:s10] =	ssyncadd.s32 $0xFFFFC000  }
0x54: {  	_ =	swait.ge [sflag:s10], $0x4000  }
0x55: {  	[sflag:s10] =	ssyncset.done $0x0  }
0x56: {  	[sflag:s10] =	ssyncadd.s32 $0xFFFFC000  }
0x57: {  	[hbm4b:s9+s2] =	stream.linear.scatter [tilespmem:s5], [sflag:$0x2], $0x10000, $0x38;
	[tilespmem:$0x10400] =	vst v63  }
0x58: {  	_ =	swait.ge [sflag:s3], $0x10000  }
0x59: {  	[sflag:s3] =	ssyncset.done $0x0  }
0x5a: {  	[sflag:s3] =	ssyncadd.s32 $0xFFFF0000  }
0x5b: {  	[tilespmem:s2], [sflag:$0x2] =	stream.linear.gather [hbm4b:s7+s2], $0x200, $0x38;
	[tilespmem:$0x10400] =	vst v63  }
0x5c: {  	_ =	swait.ge [sflag:s3], $0x200  }
0x5d: {  	[sflag:s3] =	ssyncset.done $0x0  }
0x5e: {  	[sflag:s3] =	ssyncadd.s32 $0xFFFFFE00  }
0x5f: {  	v32 =	vld [tilespmem:$0x0]  }
0x60: {  	v33 =	vld [tilespmem:$0x70]  }
0x61: {  	v34 =	vld [tilespmem:$0x30]  }
0x62: {  	v35 =	vld [tilespmem:$0x40]  }
0x63: {  	v36 =	vld [tilespmem:$0x10]  }
0x64: {  	v37 =	vld [tilespmem:$0x60]  }
0x65: {  	v38 =	vld [tilespmem:$0x20];
	v33 =	vshll.u32 v33, $0xE  }
0x66: {  	v32 =	vshll.u32 v32, $0xE;
	v34 =	vshll.u32 v34, $0xE;
	v39 =	vld [tilespmem:$0x50];
	v33 =	vor.u32 v0, v33  }
0x67: {  	v32 =	vor.u32 v7, v32;
	v34 =	vor.u32 v1, v34;
	v35 =	vshll.u32 v35, $0xE;
	[tilespmem:$0x270] =	vst v33  }
0x68: {  	v33 =	vshll.u32 v36, $0xE;
	[tilespmem:$0x230] =	vst v34;
	v34 =	vor.u32 v2, v35  }
0x69: {  	v33 =	vor.u32 v3, v33;
	[tilespmem:$0x240] =	vst v34;
	v34 =	vshll.u32 v37, $0xE  }
0x6a: {  	[tilespmem:$0x210] =	vst v33;
	v33 =	vshll.u32 v38, $0xE;
	v34 =	vor.u32 v4, v34  }
0x6b: {  	v33 =	vor.u32 v5, v33;
	v35 =	vshll.u32 v39, $0xE;
	[tilespmem:$0x260] =	vst v34  }
0x6c: {  	[tilespmem:$0x220] =	vst v33;
	v33 =	vor.u32 v6, v35  }
0x6d: {  	[tilespmem:$0x250] =	vst v33  }
0x6e: {  	[tilespmem:$0x200] =	vst v32  }
0x6f: {  	[tilespmem:s5], [sflag:$0x1] =	stream.indirect.gather [hbm4b:s4+s6], $0x80, s8, s6, $0xb8;
	[tilespmem:$0x10400] =	vst v63  }
0x70: {  	v32 =	vld [tilespmem:$0xF0]  }
0x71: {  	v33 =	vld [tilespmem:$0xA0]  }
0x72: {  	v34 =	vld [tilespmem:$0xD0]  }
0x73: {  	v35 =	vld [tilespmem:$0xC0]  }
0x74: {  	v36 =	vld [tilespmem:$0x90]  }
0x75: {  	v37 =	vld [tilespmem:$0xE0];
	v32 =	vshll.u32 v32, $0xE  }
0x76: {  	v38 =	vld [tilespmem:$0x80];
	v33 =	vshll.u32 v33, $0xE;
	v32 =	vor.u32 v8, v32  }
0x77: {  	v33 =	vor.u32 v9, v33;
	v39 =	vld [tilespmem:$0xB0];
	[tilespmem:$0x2F0] =	vst v32  }
0x78: {  	[tilespmem:$0x2A0] =	vst v33;
	v32 =	vshll.u32 v35, $0xE  }
0x79: {  	v34 =	vshll.u32 v34, $0xE;
	v33 =	vshll.u32 v36, $0xE;
	v32 =	vor.u32 v10, v32  }
0x7a: {  	v33 =	vor.u32 v29, v33;
	[tilespmem:$0x2C0] =	vst v32;
	v32 =	vor.u32 v12, v34;
	v34 =	vshll.u32 v37, $0xE  }
0x7b: {  	v35 =	vshll.u32 v38, $0xE;
	[tilespmem:$0x2D0] =	vst v32;
	v32 =	vor.u32 v13, v34  }
0x7c: {  	v34 =	vor.u32 v20, v35;
	v35 =	vshll.u32 v39, $0xE;
	[tilespmem:$0x2E0] =	vst v32  }
0x7d: {  	[tilespmem:$0x280] =	vst v34;
	v32 =	vor.u32 v22, v35  }
0x7e: {  	[tilespmem:$0x2B0] =	vst v32  }
.Ltmp1:
0x7f: {  	[tilespmem:$0x290] =	vst v33;
	(pc) =	sbr.rel @p0 .LBB2_1-.Ltmp1, $4  }
0x80: {  	[tilespmem:s16], [sflag:$0x1] =	stream.indirect.gather [hbm4b:s4+s6], $0x80, s15, s6, $0xb8;
	[tilespmem:$0x10400] =	vst v63  }
0x81: {  	v32 =	vld [tilespmem:$0x100]  }
0x82: {  	v33 =	vld [tilespmem:$0x110]  }
0x83: {  	v34 =	vld [tilespmem:$0x120]  }
.LBB2_2:
0x84: {  	v0 =	vld [tilespmem:$0x130]  }
0x85: {  	v1 =	vld [tilespmem:$0x140]  }
0x86: {  	v3 =	vld [tilespmem:$0x160];
	v2 =	vshll.u32 v32, $0xE  }
0x87: {  	v5 =	vld [tilespmem:$0x170];
	v2 =	vor.u32 v31, v2;
	v4 =	vshll.u32 v33, $0xE  }
0x88: {  	v6 =	vld [tilespmem:$0x150];
	[tilespmem:$0x300] =	vst v2;
	v33 =	vor.u32 v26, v4;
	v35 =	vshll.u32 v34, $0xE  }
0x89: {  	[tilespmem:$0x310] =	vst v33;
	v36 =	vor.u32 v30, v35;
	v0 =	vshll.u32 v0, $0xE  }
0x8a: {  	v1 =	vshll.u32 v1, $0xE;
	[tilespmem:$0x320] =	vst v36;
	v0 =	vor.u32 v27, v0  }
0x8b: {  	v38 =	vshll.u32 v3, $0xE;
	v37 =	vor.u32 v24, v1;
	[tilespmem:$0x330] =	vst v0  }
0x8c: {  	v40 =	vshll.u32 v5, $0xE;
	v39 =	vor.u32 v28, v38;
	[tilespmem:$0x340] =	vst v37  }
0x8d: {  	v41 =	vshll.u32 v6, $0xE;
	v42 =	vor.u32 v25, v40;
	[tilespmem:$0x360] =	vst v39  }
0x8e: {  	v43 =	vor.u32 v23, v41;
	[tilespmem:$0x370] =	vst v42  }
0x8f: {  	[tilespmem:$0x350] =	vst v43  }
0x90: {  	[tilespmem:s14], [sflag:$0x1] =	stream.indirect.gather [hbm4b:s4+s6], $0x80, s13, s6, $0xb8;
	[tilespmem:$0x10400] =	vst v63  }
0x91: {  	v44 =	vld [tilespmem:$0x180]  }
0x92: {  	v45 =	vld [tilespmem:$0x190]  }
0x93: {  	v46 =	vld [tilespmem:$0x1A0]  }
0x94: {  	v47 =	vld [tilespmem:$0x1B0]  }
0x95: {  	v48 =	vld [tilespmem:$0x1D0]  }
0x96: {  	v49 =	vld [tilespmem:$0x1E0];
	v0 =	vshll.u32 v44, $0xE  }
0x97: {  	v50 =	vld [tilespmem:$0x1F0];
	v1 =	vshll.u32 v45, $0xE;
	v0 =	vor.u32 v21, v0  }
0x98: {  	v53 =	vld [tilespmem:$0x1C0];
	v52 =	vshll.u32 v46, $0xE;
	v51 =	vor.u32 v16, v1;
	[tilespmem:$0x380] =	vst v0  }
0x99: {  	v55 =	vshll.u32 v47, $0xE;
	v54 =	vor.u32 v18, v52;
	[tilespmem:$0x390] =	vst v51  }
0x9a: {  	v57 =	vshll.u32 v48, $0xE;
	v56 =	vor.u32 v15, v55;
	[tilespmem:$0x3A0] =	vst v54  }
0x9b: {  	v59 =	vshll.u32 v49, $0xE;
	v58 =	vor.u32 v19, v57;
	[tilespmem:$0x3B0] =	vst v56  }
0x9c: {  	v61 =	vshll.u32 v50, $0xE;
	v60 =	vor.u32 v17, v59;
	[tilespmem:$0x3D0] =	vst v58  }
0x9d: {  	v2 =	vshll.u32 v53, $0xE;
	v62 =	vor.u32 v14, v61;
	[tilespmem:$0x3E0] =	vst v60  }
0x9e: {  	v63 =	vor.u32 v11, v2;
	[tilespmem:$0x3F0] =	vst v62  }
0x9f: {  	[tilespmem:$0x3C0] =	vst v63  }
0xa0: {  	[tilespmem:s12], [sflag:$0x1] =	stream.indirect.gather [hbm4b:s4+s6], $0x80, s11, s6, $0xb8;
	[tilespmem:$0x10400] =	vst v63  }
0xa1: {  	_ =	swait.ge [sflag:s10], $0x4000  }
0xa2: {  	[sflag:s10] =	ssyncset.done $0x0  }
0xa3: {  	[sflag:s10] =	ssyncadd.s32 $0xFFFFC000  }
0xa4: {  	_ =	swait.ge [sflag:s10], $0x4000  }
0xa5: {  	[sflag:s10] =	ssyncset.done $0x0  }
0xa6: {  	[sflag:s10] =	ssyncadd.s32 $0xFFFFC000  }
0xa7: {  	_ =	swait.ge [sflag:s10], $0x4000  }
0xa8: {  	[sflag:s10] =	ssyncset.done $0x0  }
0xa9: {  	[sflag:s10] =	ssyncadd.s32 $0xFFFFC000  }
0xaa: {  	_ =	swait.ge [sflag:s10], $0x4000  }
0xab: {  	[sflag:s10] =	ssyncset.done $0x0  }
0xac: {  	[sflag:s10] =	ssyncadd.s32 $0xFFFFC000  }
0xad: {  	[hbm4b:s9+s2] =	stream.linear.scatter [tilespmem:s5], [sflag:$0x2], $0x10000, $0x38;
	[tilespmem:$0x10400] =	vst v63  }
0xae: {  	_ =	swait.ge [sflag:s3], $0x10000  }
0xaf: {  	[sflag:s3] =	ssyncset.done $0x0  }
0xb0: {  	[sflag:s3] =	ssyncadd.s32 $0xFFFF0000  }
0xb1: {  	_ =	sfence.sel $0x180000  }
0xb2: {  	[bflag:$0x0] =	sbarrier.arrive $0xFFFF  }
0xb3: {  	p0 =	sne.s32 s0, $0x0;
	_ =	strace $0x90000047  }
0xb4: {  	s0 =	sadd.s32 @!p0 $0x100000, s1;
	[bflag:$0x2] =	sbarrier.arrive $0xFFFF  }
0xb5: {  	[sflag:s0] =	ssyncadd.tile.s32 @!p0 $0x1;
	_ =	shalt  }
.Lfunc_end2:
_tile_overlayer_lowered:
.L_overlay_start_2:
0xb6: {  	(tag) =	ssettag $0x2  }
0xb7: {  	s0 =	rddreg [dreg:$0x0];
	s2 =	stileid.u32  }
0xb8: {  	s1 =	rddreg [dreg:$0x1];
	p0 =	sne.s32 s2, $0x0  }
0xb9: {  	s3 =	rddreg [dreg:$0x2];
	[bflag:$0x3] =	sbarrier.arrive $0xFFFF;
	s2 =	simm.s32 @!p0 $0x1C02  }
0xba: {  	[timem:s3], [sflag:s2] =	dma.local @!p0 [hbm:s0], s1  }
0xbb: {  	s0 =	simm.s32 @!p0 $0x2  }
0xbc: {  	_ =	swait.ge @!p0 [sflag:s0], s1  }
0xbd: {  	s1 =	ssub.s32 @!p0 $0x0, s1;
	[sflag:s0] =	ssyncset.done @!p0 $0x0  }
0xbe: {  	[sflag:s0] =	ssyncadd.s32 @!p0 s1  }
0xbf: {  	[bflag:$0x3] =	sbarrier.arrive $0xFFFF  }
0xc0: {  	_ =	shalt  }

</sc_bundles>
